<compile_context>
chip_gen: v7x
topology: tpu7x:2x2x1
jax: 0.10.2.dev20260603
libtpu: 0.0.44.dev20260713+nightly
codegen_flags: <defaults>
</compile_context>

<pallas_src>
import jax
import jax.numpy as jnp
from jax import lax
from jax.experimental import pallas as pl
from jax.experimental.pallas import tpu as pltpu
from jax.experimental.pallas import tpu_sc as plsc

_info = plsc.get_sparse_core_info()
_NC, _NS = _info.num_cores, _info.num_subcores
_NW = _NC * _NS

_BAG = 26
_BATCH = 4096
_ROWS = _BATCH * _BAG
_D = 128
_CHUNK = 256
_PER_W = _ROWS // _NW
_NCHUNK = _PER_W // _CHUNK
_NBUF = 3
_LAG = 2


def _sc_gather(table, idx1):
  mesh = plsc.VectorSubcoreMesh(core_axis_name="c", subcore_axis_name="s")

  def body(table_hbm, idx_hbm, out_hbm, idx_v, rows_v, gsems, ssems):
    wid = lax.axis_index("s") * _NC + lax.axis_index("c")
    base = wid * _PER_W
    pltpu.sync_copy(idx_hbm.at[pl.ds(base, _PER_W)], idx_v)

    def gather(c, b):
      return pltpu.make_async_copy(
          table_hbm.at[idx_v.at[pl.ds(c * _CHUNK, _CHUNK)]],
          rows_v.at[b], gsems.at[b])

    def store(c, b):
      return pltpu.make_async_copy(
          rows_v.at[b], out_hbm.at[pl.ds(base + c * _CHUNK, _CHUNK)],
          ssems.at[b])

    for c in range(_NCHUNK + _LAG):
      b = c % _NBUF
      if c < _NCHUNK:
        if c >= _NBUF:
          store(c - _NBUF, b).wait()
        gather(c, b).start()
      d = c - _LAG
      if d >= 0:
        bd = d % _NBUF
        gather(d, bd).wait()
        store(d, bd).start()
    for d in range(_NCHUNK - _NBUF, _NCHUNK):
      store(d, d % _NBUF).wait()

  f = pl.kernel(
      body,
      out_type=jax.ShapeDtypeStruct((_ROWS, _D), jnp.float32),
      mesh=mesh,
      scratch_types=[
          pltpu.VMEM((_PER_W,), jnp.int32),
          pltpu.VMEM((_NBUF, _CHUNK, _D), jnp.float32),
          pltpu.SemaphoreType.DMA((_NBUF,)),
          pltpu.SemaphoreType.DMA((_NBUF,)),
      ],
  )
  return f(table, idx1)


def kernel(inputs, embedding):
  idx1 = inputs.astype(jnp.int32).T.reshape(_ROWS)
  out = _sc_gather(embedding, idx1)
  return out.reshape(_BAG, _BATCH, _D).transpose(1, 0, 2)

# --- scband reference (transcript-rebuilt; emitter-appended) ---
"""Pipeline reference for scband-embedding-layer-9861244911811 (READ-ONLY COPY).

The authoritative reference and input builder live on the scoring server;
editing this copy changes nothing except your own understanding.
"""

import jax, jax.numpy as jnp
import numpy as np

FEATURE_SIZE = 100000
EMB_SIZE = 128

def setup_inputs(seed: int = 0) -> dict:
    key = jax.random.key(seed)
    k1, k2 = jax.random.split(key)
    inputs = jax.random.randint(k1, (4096, 26), 0, FEATURE_SIZE + 1, dtype=jnp.int64 if jax.config.jax_enable_x64 else jnp.int32)
    # embedding table of shape [feature_size + 1, emb_size], RandomNormal init (stddev=0.05 default in keras)
    embedding = jax.random.normal(k2, (FEATURE_SIZE + 1, EMB_SIZE), dtype=jnp.float32) * 0.05
    return {"inputs": inputs, "embedding": embedding}

def reference(inputs, embedding):
    # tf.nn.embedding_lookup(self.embedding, inputs)
    return jnp.take(embedding, inputs, axis=0)

if __name__ == "__main__":
    import jax
    _d = setup_inputs()
    print(jax.jit(kernel)(*tuple(_d.values())))

</pallas_src>

<mosaic_0001>
#map = affine_map<(d0, d1) -> (0, 0)>
#map1 = affine_map<(d0, d1) -> (0)>
module attributes {stable_mosaic.version = 14 : i64} {
  func.func @body(%arg0: i32, %arg1: i32, %arg2: memref<100001x128xf32, #tpu.memory_space<hbm>>, %arg3: memref<106496xi32, #tpu.memory_space<hbm>>, %arg4: memref<106496x128xf32, #tpu.memory_space<hbm>>, %arg5: memref<3328xi32, #tpu.memory_space<vmem>>, %arg6: memref<3x256x128xf32, #tpu.memory_space<vmem>>, %arg7: memref<3x!tpu.dma_semaphore, #tpu.memory_space<semaphore_mem>>, %arg8: memref<3x!tpu.dma_semaphore, #tpu.memory_space<semaphore_mem>>) attributes {dimension_semantics = [#tpu.dimension_semantics<core_parallel>, #tpu.dimension_semantics<subcore_parallel>], iteration_bounds = array<i64: 2, 16>, scalar_prefetch = 0 : i64, scratch_operands = 4 : i64, tpu.core_type = #tpu.core_type<sc_vector_subcore>, window_params = [{transform_indices = #map}, {transform_indices = #map1}, {transform_indices = #map}]} {
    %mul3A = arith.constant 2 : i32
    %mul3A_0 = arith.muli %arg1, %mul3A : i32
    %add3A = arith.addi %mul3A_0, %arg0 : i32
    %mul3A_1 = arith.constant 3328 : i32
    %mul3A_2 = arith.muli %add3A, %mul3A_1 : i32
    "tpu.region"() ({
      %run_scoped3A = tpu.sem_alloc : memref<!tpu.dma_semaphore, #tpu.memory_space<semaphore_mem>>
      %dma_start3A_807 = tpu.memref_slice %arg3[%mul3A_2] : memref<106496xi32, #tpu.memory_space<hbm>> -> memref<3328xi32, #tpu.memory_space<hbm>>
      %dma_start3A_808 = tpu.memref_slice %arg3[%mul3A_2] : memref<106496xi32, #tpu.memory_space<hbm>> -> memref<3328xi32, #tpu.memory_space<hbm>>
      tpu.enqueue_dma source(%dma_start3A_808 : memref<3328xi32, #tpu.memory_space<hbm>>) target(%arg5 : memref<3328xi32, #tpu.memory_space<vmem>>) target_semaphore(%run_scoped3A : memref<!tpu.dma_semaphore, #tpu.memory_space<semaphore_mem>>)
      %dma_wait3A_809 = tpu.memref_slice %arg3[%mul3A_2] : memref<106496xi32, #tpu.memory_space<hbm>> -> memref<3328xi32, #tpu.memory_space<hbm>>
      %dma_wait3A_810 = tpu.memref_slice %arg3[%mul3A_2] : memref<106496xi32, #tpu.memory_space<hbm>> -> memref<3328xi32, #tpu.memory_space<hbm>>
      tpu.wait_dma2 semaphore(%run_scoped3A : memref<!tpu.dma_semaphore, #tpu.memory_space<semaphore_mem>>) src(%dma_wait3A_810 : memref<3328xi32, #tpu.memory_space<hbm>>) dst(%arg5 : memref<3328xi32, #tpu.memory_space<vmem>>)
      tpu.yield
    }) : () -> ()
    %dma_start3A = arith.constant 0 : i32
    %dma_start3A_3 = arith.constant 0 : i32
    %dma_start3A_4 = arith.constant 0 : i32
    %dma_start3A_5 = arith.constant 0 : i32
    %dma_start3A_6 = tpu.memref_slice %arg6[%dma_start3A, %dma_start3A_4, %dma_start3A_5] : memref<3x256x128xf32, #tpu.memory_space<vmem>> -> memref<1x256x128xf32, #tpu.memory_space<vmem>>
    %dma_start3A_7 = tpu.memref_squeeze %dma_start3A_6 : memref<1x256x128xf32, #tpu.memory_space<vmem>> -> memref<256x128xf32, #tpu.memory_space<vmem>>
    %dma_start3A_8 = arith.constant 0 : i32
    %dma_start3A_9 = tpu.memref_slice %arg5[%dma_start3A_8] : memref<3328xi32, #tpu.memory_space<vmem>> -> memref<256xi32, #tpu.memory_space<vmem>>
    %dma_start3A_10 = arith.constant 0 : i32
    %dma_start3A_11 = arith.constant 0 : i32
    %dma_start3A_12 = tpu.memref_slice %arg2[%dma_start3A_10, %dma_start3A_11] : memref<100001x128xf32, #tpu.memory_space<hbm>> -> memref<100001x128xf32, #tpu.memory_space<hbm>>
    %dma_start3A_13 = tpu.memref_slice %arg7[%dma_start3A_3] : memref<3x!tpu.dma_semaphore, #tpu.memory_space<semaphore_mem>> -> memref<1x!tpu.dma_semaphore, #tpu.memory_space<semaphore_mem>>
    %dma_start3A_14 = tpu.memref_squeeze %dma_start3A_13 : memref<1x!tpu.dma_semaphore, #tpu.memory_space<semaphore_mem>> -> memref<!tpu.dma_semaphore, #tpu.memory_space<semaphore_mem>>
    tpu.enqueue_indirect_dma source(%dma_start3A_12 : memref<100001x128xf32, #tpu.memory_space<hbm>>) target(%dma_start3A_7 : memref<256x128xf32, #tpu.memory_space<vmem>>) offsets(%dma_start3A_9 : memref<256xi32, #tpu.memory_space<vmem>>) semaphore(%dma_start3A_14 : memref<!tpu.dma_semaphore, #tpu.memory_space<semaphore_mem>>)
    %dma_start3A_15 = arith.constant 1 : i32
    %dma_start3A_16 = arith.constant 1 : i32
    %dma_start3A_17 = arith.constant 0 : i32
    %dma_start3A_18 = arith.constant 0 : i32
    %dma_start3A_19 = tpu.memref_slice %arg6[%dma_start3A_15, %dma_start3A_17, %dma_start3A_18] : memref<3x256x128xf32, #tpu.memory_space<vmem>> -> memref<1x256x128xf32, #tpu.memory_space<vmem>>
    %dma_start3A_20 = tpu.memref_squeeze %dma_start3A_19 : memref<1x256x128xf32, #tpu.memory_space<vmem>> -> memref<256x128xf32, #tpu.memory_space<vmem>>
    %dma_start3A_21 = arith.constant 256 : i32
    %dma_start3A_22 = tpu.memref_slice %arg5[%dma_start3A_21] : memref<3328xi32, #tpu.memory_space<vmem>> -> memref<256xi32, #tpu.memory_space<vmem>>
    %dma_start3A_23 = arith.constant 0 : i32
    %dma_start3A_24 = arith.constant 0 : i32
    %dma_start3A_25 = tpu.memref_slice %arg2[%dma_start3A_23, %dma_start3A_24] : memref<100001x128xf32, #tpu.memory_space<hbm>> -> memref<100001x128xf32, #tpu.memory_space<hbm>>
    %dma_start3A_26 = tpu.memref_slice %arg7[%dma_start3A_16] : memref<3x!tpu.dma_semaphore, #tpu.memory_space<semaphore_mem>> -> memref<1x!tpu.dma_semaphore, #tpu.memory_space<semaphore_mem>>
    %dma_start3A_27 = tpu.memref_squeeze %dma_start3A_26 : memref<1x!tpu.dma_semaphore, #tpu.memory_space<semaphore_mem>> -> memref<!tpu.dma_semaphore, #tpu.memory_space<semaphore_mem>>
    tpu.enqueue_indirect_dma source(%dma_start3A_25 : memref<100001x128xf32, #tpu.memory_space<hbm>>) target(%dma_start3A_20 : memref<256x128xf32, #tpu.memory_space<vmem>>) offsets(%dma_start3A_22 : memref<256xi32, #tpu.memory_space<vmem>>) semaphore(%dma_start3A_27 : memref<!tpu.dma_semaphore, #tpu.memory_space<semaphore_mem>>)
    %dma_start3A_28 = arith.constant 2 : i32
    %dma_start3A_29 = arith.constant 2 : i32
    %dma_start3A_30 = arith.constant 0 : i32
    %dma_start3A_31 = arith.constant 0 : i32
    %dma_start3A_32 = tpu.memref_slice %arg6[%dma_start3A_28, %dma_start3A_30, %dma_start3A_31] : memref<3x256x128xf32, #tpu.memory_space<vmem>> -> memref<1x256x128xf32, #tpu.memory_space<vmem>>
    %dma_start3A_33 = tpu.memref_squeeze %dma_start3A_32 : memref<1x256x128xf32, #tpu.memory_space<vmem>> -> memref<256x128xf32, #tpu.memory_space<vmem>>
    %dma_start3A_34 = arith.constant 512 : i32
    %dma_start3A_35 = tpu.memref_slice %arg5[%dma_start3A_34] : memref<3328xi32, #tpu.memory_space<vmem>> -> memref<256xi32, #tpu.memory_space<vmem>>
    %dma_start3A_36 = arith.constant 0 : i32
    %dma_start3A_37 = arith.constant 0 : i32
    %dma_start3A_38 = tpu.memref_slice %arg2[%dma_start3A_36, %dma_start3A_37] : memref<100001x128xf32, #tpu.memory_space<hbm>> -> memref<100001x128xf32, #tpu.memory_space<hbm>>
    %dma_start3A_39 = tpu.memref_slice %arg7[%dma_start3A_29] : memref<3x!tpu.dma_semaphore, #tpu.memory_space<semaphore_mem>> -> memref<1x!tpu.dma_semaphore, #tpu.memory_space<semaphore_mem>>
    %dma_start3A_40 = tpu.memref_squeeze %dma_start3A_39 : memref<1x!tpu.dma_semaphore, #tpu.memory_space<semaphore_mem>> -> memref<!tpu.dma_semaphore, #tpu.memory_space<semaphore_mem>>
    tpu.enqueue_indirect_dma source(%dma_start3A_38 : memref<100001x128xf32, #tpu.memory_space<hbm>>) target(%dma_start3A_33 : memref<256x128xf32, #tpu.memory_space<vmem>>) offsets(%dma_start3A_35 : memref<256xi32, #tpu.memory_space<vmem>>) semaphore(%dma_start3A_40 : memref<!tpu.dma_semaphore, #tpu.memory_space<semaphore_mem>>)
    %dma_wait3A = arith.constant 0 : i32
    %dma_wait3A_41 = arith.constant 0 : i32
    %dma_wait3A_42 = arith.constant 0 : i32
    %dma_wait3A_43 = arith.constant 0 : i32
    %dma_wait3A_44 = tpu.memref_slice %arg6[%dma_wait3A, %dma_wait3A_42, %dma_wait3A_43] : memref<3x256x128xf32, #tpu.memory_space<vmem>> -> memref<1x256x128xf32, #tpu.memory_space<vmem>>
    %dma_wait3A_45 = tpu.memref_squeeze %dma_wait3A_44 : memref<1x256x128xf32, #tpu.memory_space<vmem>> -> memref<256x128xf32, #tpu.memory_space<vmem>>
    %dma_wait3A_46 = arith.constant 0 : i32
    %dma_wait3A_47 = tpu.memref_slice %arg5[%dma_wait3A_46] : memref<3328xi32, #tpu.memory_space<vmem>> -> memref<256xi32, #tpu.memory_space<vmem>>
    %dma_wait3A_48 = arith.constant 0 : i32
    %dma_wait3A_49 = arith.constant 0 : i32
    %dma_wait3A_50 = tpu.memref_slice %arg2[%dma_wait3A_48, %dma_wait3A_49] : memref<100001x128xf32, #tpu.memory_space<hbm>> -> memref<100001x128xf32, #tpu.memory_space<hbm>>
    %dma_wait3A_51 = tpu.memref_slice %arg7[%dma_wait3A_41] : memref<3x!tpu.dma_semaphore, #tpu.memory_space<semaphore_mem>> -> memref<1x!tpu.dma_semaphore, #tpu.memory_space<semaphore_mem>>
    %dma_wait3A_52 = tpu.memref_squeeze %dma_wait3A_51 : memref<1x!tpu.dma_semaphore, #tpu.memory_space<semaphore_mem>> -> memref<!tpu.dma_semaphore, #tpu.memory_space<semaphore_mem>>
    tpu.wait_indirect_dma semaphore(%dma_wait3A_52 : memref<!tpu.dma_semaphore, #tpu.memory_space<semaphore_mem>>) src(%dma_wait3A_50 : memref<100001x128xf32, #tpu.memory_space<hbm>>) dst(%dma_wait3A_45 : memref<256x128xf32, #tpu.memory_space<vmem>>)
    %add3A_53 = arith.constant 0 : i32
    %add3A_54 = arith.addi %mul3A_2, %add3A_53 : i32
    %dma_start3A_55 = arith.constant 0 : i32
    %dma_start3A_56 = arith.constant 0 : i32
    %dma_start3A_57 = arith.constant 0 : i32
    %dma_start3A_58 = arith.constant 0 : i32
    %dma_start3A_59 = tpu.memref_slice %arg6[%dma_start3A_55, %dma_start3A_57, %dma_start3A_58] : memref<3x256x128xf32, #tpu.memory_space<vmem>> -> memref<1x256x128xf32, #tpu.memory_space<vmem>>
    %dma_start3A_60 = tpu.memref_squeeze %dma_start3A_59 : memref<1x256x128xf32, #tpu.memory_space<vmem>> -> memref<256x128xf32, #tpu.memory_space<vmem>>
    %dma_start3A_61 = arith.constant 0 : i32
    %dma_start3A_62 = tpu.memref_slice %arg4[%add3A_54, %dma_start3A_61] : memref<106496x128xf32, #tpu.memory_space<hbm>> -> memref<256x128xf32, #tpu.memory_space<hbm>>
    %dma_start3A_63 = tpu.memref_slice %arg8[%dma_start3A_56] : memref<3x!tpu.dma_semaphore, #tpu.memory_space<semaphore_mem>> -> memref<1x!tpu.dma_semaphore, #tpu.memory_space<semaphore_mem>>
    %dma_start3A_64 = tpu.memref_squeeze %dma_start3A_63 : memref<1x!tpu.dma_semaphore, #tpu.memory_space<semaphore_mem>> -> memref<!tpu.dma_semaphore, #tpu.memory_space<semaphore_mem>>
    %dma_start3A_65 = arith.constant 0 : i32
    %dma_start3A_66 = tpu.memref_slice %arg4[%add3A_54, %dma_start3A_65] : memref<106496x128xf32, #tpu.memory_space<hbm>> -> memref<256x128xf32, #tpu.memory_space<hbm>>
    %dma_start3A_67 = arith.constant 0 : i32
    %dma_start3A_68 = arith.constant 0 : i32
    %dma_start3A_69 = tpu.memref_slice %arg6[%dma_start3A_55, %dma_start3A_67, %dma_start3A_68] : memref<3x256x128xf32, #tpu.memory_space<vmem>> -> memref<1x256x128xf32, #tpu.memory_space<vmem>>
    %dma_start3A_70 = tpu.memref_squeeze %dma_start3A_69 : memref<1x256x128xf32, #tpu.memory_space<vmem>> -> memref<256x128xf32, #tpu.memory_space<vmem>>
    tpu.enqueue_dma source(%dma_start3A_70 : memref<256x128xf32, #tpu.memory_space<vmem>>) target(%dma_start3A_66 : memref<256x128xf32, #tpu.memory_space<hbm>>) target_semaphore(%dma_start3A_64 : memref<!tpu.dma_semaphore, #tpu.memory_space<semaphore_mem>>)
    %add3A_71 = arith.constant 0 : i32
    %add3A_72 = arith.addi %mul3A_2, %add3A_71 : i32
    %dma_wait3A_73 = arith.constant 0 : i32
    %dma_wait3A_74 = arith.constant 0 : i32
    %dma_wait3A_75 = arith.constant 0 : i32
    %dma_wait3A_76 = arith.constant 0 : i32
    %dma_wait3A_77 = tpu.memref_slice %arg6[%dma_wait3A_73, %dma_wait3A_75, %dma_wait3A_76] : memref<3x256x128xf32, #tpu.memory_space<vmem>> -> memref<1x256x128xf32, #tpu.memory_space<vmem>>
    %dma_wait3A_78 = tpu.memref_squeeze %dma_wait3A_77 : memref<1x256x128xf32, #tpu.memory_space<vmem>> -> memref<256x128xf32, #tpu.memory_space<vmem>>
    %dma_wait3A_79 = arith.constant 0 : i32
    %dma_wait3A_80 = tpu.memref_slice %arg4[%add3A_72, %dma_wait3A_79] : memref<106496x128xf32, #tpu.memory_space<hbm>> -> memref<256x128xf32, #tpu.memory_space<hbm>>
    %dma_wait3A_81 = tpu.memref_slice %arg8[%dma_wait3A_74] : memref<3x!tpu.dma_semaphore, #tpu.memory_space<semaphore_mem>> -> memref<1x!tpu.dma_semaphore, #tpu.memory_space<semaphore_mem>>
    %dma_wait3A_82 = tpu.memref_squeeze %dma_wait3A_81 : memref<1x!tpu.dma_semaphore, #tpu.memory_space<semaphore_mem>> -> memref<!tpu.dma_semaphore, #tpu.memory_space<semaphore_mem>>
    %dma_wait3A_83 = arith.constant 0 : i32
    %dma_wait3A_84 = tpu.memref_slice %arg4[%add3A_72, %dma_wait3A_83] : memref<106496x128xf32, #tpu.memory_space<hbm>> -> memref<256x128xf32, #tpu.memory_space<hbm>>
    %dma_wait3A_85 = arith.constant 0 : i32
    %dma_wait3A_86 = arith.constant 0 : i32
    %dma_wait3A_87 = tpu.memref_slice %arg6[%dma_wait3A_73, %dma_wait3A_85, %dma_wait3A_86] : memref<3x256x128xf32, #tpu.memory_space<vmem>> -> memref<1x256x128xf32, #tpu.memory_space<vmem>>
    %dma_wait3A_88 = tpu.memref_squeeze %dma_wait3A_87 : memref<1x256x128xf32, #tpu.memory_space<vmem>> -> memref<256x128xf32, #tpu.memory_space<vmem>>
    tpu.wait_dma2 semaphore(%dma_wait3A_82 : memref<!tpu.dma_semaphore, #tpu.memory_space<semaphore_mem>>) src(%dma_wait3A_88 : memref<256x128xf32, #tpu.memory_space<vmem>>) dst(%dma_wait3A_84 : memref<256x128xf32, #tpu.memory_space<hbm>>)
    %dma_start3A_89 = arith.constant 0 : i32
    %dma_start3A_90 = arith.constant 0 : i32
    %dma_start3A_91 = arith.constant 0 : i32
    %dma_start3A_92 = arith.constant 0 : i32
    %dma_start3A_93 = tpu.memref_slice %arg6[%dma_start3A_89, %dma_start3A_91, %dma_start3A_92] : memref<3x256x128xf32, #tpu.memory_space<vmem>> -> memref<1x256x128xf32, #tpu.memory_space<vmem>>
    %dma_start3A_94 = tpu.memref_squeeze %dma_start3A_93 : memref<1x256x128xf32, #tpu.memory_space<vmem>> -> memref<256x128xf32, #tpu.memory_space<vmem>>
    %dma_start3A_95 = arith.constant 768 : i32
    %dma_start3A_96 = tpu.memref_slice %arg5[%dma_start3A_95] : memref<3328xi32, #tpu.memory_space<vmem>> -> memref<256xi32, #tpu.memory_space<vmem>>
    %dma_start3A_97 = arith.constant 0 : i32
    %dma_start3A_98 = arith.constant 0 : i32
    %dma_start3A_99 = tpu.memref_slice %arg2[%dma_start3A_97, %dma_start3A_98] : memref<100001x128xf32, #tpu.memory_space<hbm>> -> memref<100001x128xf32, #tpu.memory_space<hbm>>
    %dma_start3A_100 = tpu.memref_slice %arg7[%dma_start3A_90] : memref<3x!tpu.dma_semaphore, #tpu.memory_space<semaphore_mem>> -> memref<1x!tpu.dma_semaphore, #tpu.memory_space<semaphore_mem>>
    %dma_start3A_101 = tpu.memref_squeeze %dma_start3A_100 : memref<1x!tpu.dma_semaphore, #tpu.memory_space<semaphore_mem>> -> memref<!tpu.dma_semaphore, #tpu.memory_space<semaphore_mem>>
    tpu.enqueue_indirect_dma source(%dma_start3A_99 : memref<100001x128xf32, #tpu.memory_space<hbm>>) target(%dma_start3A_94 : memref<256x128xf32, #tpu.memory_space<vmem>>) offsets(%dma_start3A_96 : memref<256xi32, #tpu.memory_space<vmem>>) semaphore(%dma_start3A_101 : memref<!tpu.dma_semaphore, #tpu.memory_space<semaphore_mem>>)
    %dma_wait3A_102 = arith.constant 1 : i32
    %dma_wait3A_103 = arith.constant 1 : i32
    %dma_wait3A_104 = arith.constant 0 : i32
    %dma_wait3A_105 = arith.constant 0 : i32
    %dma_wait3A_106 = tpu.memref_slice %arg6[%dma_wait3A_102, %dma_wait3A_104, %dma_wait3A_105] : memref<3x256x128xf32, #tpu.memory_space<vmem>> -> memref<1x256x128xf32, #tpu.memory_space<vmem>>
    %dma_wait3A_107 = tpu.memref_squeeze %dma_wait3A_106 : memref<1x256x128xf32, #tpu.memory_space<vmem>> -> memref<256x128xf32, #tpu.memory_space<vmem>>
    %dma_wait3A_108 = arith.constant 256 : i32
    %dma_wait3A_109 = tpu.memref_slice %arg5[%dma_wait3A_108] : memref<3328xi32, #tpu.memory_space<vmem>> -> memref<256xi32, #tpu.memory_space<vmem>>
    %dma_wait3A_110 = arith.constant 0 : i32
    %dma_wait3A_111 = arith.constant 0 : i32
    %dma_wait3A_112 = tpu.memref_slice %arg2[%dma_wait3A_110, %dma_wait3A_111] : memref<100001x128xf32, #tpu.memory_space<hbm>> -> memref<100001x128xf32, #tpu.memory_space<hbm>>
    %dma_wait3A_113 = tpu.memref_slice %arg7[%dma_wait3A_103] : memref<3x!tpu.dma_semaphore, #tpu.memory_space<semaphore_mem>> -> memref<1x!tpu.dma_semaphore, #tpu.memory_space<semaphore_mem>>
    %dma_wait3A_114 = tpu.memref_squeeze %dma_wait3A_113 : memref<1x!tpu.dma_semaphore, #tpu.memory_space<semaphore_mem>> -> memref<!tpu.dma_semaphore, #tpu.memory_space<semaphore_mem>>
    tpu.wait_indirect_dma semaphore(%dma_wait3A_114 : memref<!tpu.dma_semaphore, #tpu.memory_space<semaphore_mem>>) src(%dma_wait3A_112 : memref<100001x128xf32, #tpu.memory_space<hbm>>) dst(%dma_wait3A_107 : memref<256x128xf32, #tpu.memory_space<vmem>>)
    %add3A_115 = arith.constant 256 : i32
    %add3A_116 = arith.addi %mul3A_2, %add3A_115 : i32
    %dma_start3A_117 = arith.constant 1 : i32
    %dma_start3A_118 = arith.constant 1 : i32
    %dma_start3A_119 = arith.constant 0 : i32
    %dma_start3A_120 = arith.constant 0 : i32
    %dma_start3A_121 = tpu.memref_slice %arg6[%dma_start3A_117, %dma_start3A_119, %dma_start3A_120] : memref<3x256x128xf32, #tpu.memory_space<vmem>> -> memref<1x256x128xf32, #tpu.memory_space<vmem>>
    %dma_start3A_122 = tpu.memref_squeeze %dma_start3A_121 : memref<1x256x128xf32, #tpu.memory_space<vmem>> -> memref<256x128xf32, #tpu.memory_space<vmem>>
    %dma_start3A_123 = arith.constant 0 : i32
    %dma_start3A_124 = tpu.memref_slice %arg4[%add3A_116, %dma_start3A_123] : memref<106496x128xf32, #tpu.memory_space<hbm>> -> memref<256x128xf32, #tpu.memory_space<hbm>>
    %dma_start3A_125 = tpu.memref_slice %arg8[%dma_start3A_118] : memref<3x!tpu.dma_semaphore, #tpu.memory_space<semaphore_mem>> -> memref<1x!tpu.dma_semaphore, #tpu.memory_space<semaphore_mem>>
    %dma_start3A_126 = tpu.memref_squeeze %dma_start3A_125 : memref<1x!tpu.dma_semaphore, #tpu.memory_space<semaphore_mem>> -> memref<!tpu.dma_semaphore, #tpu.memory_space<semaphore_mem>>
    %dma_start3A_127 = arith.constant 0 : i32
    %dma_start3A_128 = tpu.memref_slice %arg4[%add3A_116, %dma_start3A_127] : memref<106496x128xf32, #tpu.memory_space<hbm>> -> memref<256x128xf32, #tpu.memory_space<hbm>>
    %dma_start3A_129 = arith.constant 0 : i32
    %dma_start3A_130 = arith.constant 0 : i32
    %dma_start3A_131 = tpu.memref_slice %arg6[%dma_start3A_117, %dma_start3A_129, %dma_start3A_130] : memref<3x256x128xf32, #tpu.memory_space<vmem>> -> memref<1x256x128xf32, #tpu.memory_space<vmem>>
    %dma_start3A_132 = tpu.memref_squeeze %dma_start3A_131 : memref<1x256x128xf32, #tpu.memory_space<vmem>> -> memref<256x128xf32, #tpu.memory_space<vmem>>
    tpu.enqueue_dma source(%dma_start3A_132 : memref<256x128xf32, #tpu.memory_space<vmem>>) target(%dma_start3A_128 : memref<256x128xf32, #tpu.memory_space<hbm>>) target_semaphore(%dma_start3A_126 : memref<!tpu.dma_semaphore, #tpu.memory_space<semaphore_mem>>)
    %add3A_133 = arith.constant 256 : i32
    %add3A_134 = arith.addi %mul3A_2, %add3A_133 : i32
    %dma_wait3A_135 = arith.constant 1 : i32
    %dma_wait3A_136 = arith.constant 1 : i32
    %dma_wait3A_137 = arith.constant 0 : i32
    %dma_wait3A_138 = arith.constant 0 : i32
    %dma_wait3A_139 = tpu.memref_slice %arg6[%dma_wait3A_135, %dma_wait3A_137, %dma_wait3A_138] : memref<3x256x128xf32, #tpu.memory_space<vmem>> -> memref<1x256x128xf32, #tpu.memory_space<vmem>>
    %dma_wait3A_140 = tpu.memref_squeeze %dma_wait3A_139 : memref<1x256x128xf32, #tpu.memory_space<vmem>> -> memref<256x128xf32, #tpu.memory_space<vmem>>
    %dma_wait3A_141 = arith.constant 0 : i32
    %dma_wait3A_142 = tpu.memref_slice %arg4[%add3A_134, %dma_wait3A_141] : memref<106496x128xf32, #tpu.memory_space<hbm>> -> memref<256x128xf32, #tpu.memory_space<hbm>>
    %dma_wait3A_143 = tpu.memref_slice %arg8[%dma_wait3A_136] : memref<3x!tpu.dma_semaphore, #tpu.memory_space<semaphore_mem>> -> memref<1x!tpu.dma_semaphore, #tpu.memory_space<semaphore_mem>>
    %dma_wait3A_144 = tpu.memref_squeeze %dma_wait3A_143 : memref<1x!tpu.dma_semaphore, #tpu.memory_space<semaphore_mem>> -> memref<!tpu.dma_semaphore, #tpu.memory_space<semaphore_mem>>
    %dma_wait3A_145 = arith.constant 0 : i32
    %dma_wait3A_146 = tpu.memref_slice %arg4[%add3A_134, %dma_wait3A_145] : memref<106496x128xf32, #tpu.memory_space<hbm>> -> memref<256x128xf32, #tpu.memory_space<hbm>>
    %dma_wait3A_147 = arith.constant 0 : i32
    %dma_wait3A_148 = arith.constant 0 : i32
    %dma_wait3A_149 = tpu.memref_slice %arg6[%dma_wait3A_135, %dma_wait3A_147, %dma_wait3A_148] : memref<3x256x128xf32, #tpu.memory_space<vmem>> -> memref<1x256x128xf32, #tpu.memory_space<vmem>>
    %dma_wait3A_150 = tpu.memref_squeeze %dma_wait3A_149 : memref<1x256x128xf32, #tpu.memory_space<vmem>> -> memref<256x128xf32, #tpu.memory_space<vmem>>
    tpu.wait_dma2 semaphore(%dma_wait3A_144 : memref<!tpu.dma_semaphore, #tpu.memory_space<semaphore_mem>>) src(%dma_wait3A_150 : memref<256x128xf32, #tpu.memory_space<vmem>>) dst(%dma_wait3A_146 : memref<256x128xf32, #tpu.memory_space<hbm>>)
    %dma_start3A_151 = arith.constant 1 : i32
    %dma_start3A_152 = arith.constant 1 : i32
    %dma_start3A_153 = arith.constant 0 : i32
    %dma_start3A_154 = arith.constant 0 : i32
    %dma_start3A_155 = tpu.memref_slice %arg6[%dma_start3A_151, %dma_start3A_153, %dma_start3A_154] : memref<3x256x128xf32, #tpu.memory_space<vmem>> -> memref<1x256x128xf32, #tpu.memory_space<vmem>>
    %dma_start3A_156 = tpu.memref_squeeze %dma_start3A_155 : memref<1x256x128xf32, #tpu.memory_space<vmem>> -> memref<256x128xf32, #tpu.memory_space<vmem>>
    %dma_start3A_157 = arith.constant 1024 : i32
    %dma_start3A_158 = tpu.memref_slice %arg5[%dma_start3A_157] : memref<3328xi32, #tpu.memory_space<vmem>> -> memref<256xi32, #tpu.memory_space<vmem>>
    %dma_start3A_159 = arith.constant 0 : i32
    %dma_start3A_160 = arith.constant 0 : i32
    %dma_start3A_161 = tpu.memref_slice %arg2[%dma_start3A_159, %dma_start3A_160] : memref<100001x128xf32, #tpu.memory_space<hbm>> -> memref<100001x128xf32, #tpu.memory_space<hbm>>
    %dma_start3A_162 = tpu.memref_slice %arg7[%dma_start3A_152] : memref<3x!tpu.dma_semaphore, #tpu.memory_space<semaphore_mem>> -> memref<1x!tpu.dma_semaphore, #tpu.memory_space<semaphore_mem>>
    %dma_start3A_163 = tpu.memref_squeeze %dma_start3A_162 : memref<1x!tpu.dma_semaphore, #tpu.memory_space<semaphore_mem>> -> memref<!tpu.dma_semaphore, #tpu.memory_space<semaphore_mem>>
    tpu.enqueue_indirect_dma source(%dma_start3A_161 : memref<100001x128xf32, #tpu.memory_space<hbm>>) target(%dma_start3A_156 : memref<256x128xf32, #tpu.memory_space<vmem>>) offsets(%dma_start3A_158 : memref<256xi32, #tpu.memory_space<vmem>>) semaphore(%dma_start3A_163 : memref<!tpu.dma_semaphore, #tpu.memory_space<semaphore_mem>>)
    %dma_wait3A_164 = arith.constant 2 : i32
    %dma_wait3A_165 = arith.constant 2 : i32
    %dma_wait3A_166 = arith.constant 0 : i32
    %dma_wait3A_167 = arith.constant 0 : i32
    %dma_wait3A_168 = tpu.memref_slice %arg6[%dma_wait3A_164, %dma_wait3A_166, %dma_wait3A_167] : memref<3x256x128xf32, #tpu.memory_space<vmem>> -> memref<1x256x128xf32, #tpu.memory_space<vmem>>
    %dma_wait3A_169 = tpu.memref_squeeze %dma_wait3A_168 : memref<1x256x128xf32, #tpu.memory_space<vmem>> -> memref<256x128xf32, #tpu.memory_space<vmem>>
    %dma_wait3A_170 = arith.constant 512 : i32
    %dma_wait3A_171 = tpu.memref_slice %arg5[%dma_wait3A_170] : memref<3328xi32, #tpu.memory_space<vmem>> -> memref<256xi32, #tpu.memory_space<vmem>>
    %dma_wait3A_172 = arith.constant 0 : i32
    %dma_wait3A_173 = arith.constant 0 : i32
    %dma_wait3A_174 = tpu.memref_slice %arg2[%dma_wait3A_172, %dma_wait3A_173] : memref<100001x128xf32, #tpu.memory_space<hbm>> -> memref<100001x128xf32, #tpu.memory_space<hbm>>
    %dma_wait3A_175 = tpu.memref_slice %arg7[%dma_wait3A_165] : memref<3x!tpu.dma_semaphore, #tpu.memory_space<semaphore_mem>> -> memref<1x!tpu.dma_semaphore, #tpu.memory_space<semaphore_mem>>
    %dma_wait3A_176 = tpu.memref_squeeze %dma_wait3A_175 : memref<1x!tpu.dma_semaphore, #tpu.memory_space<semaphore_mem>> -> memref<!tpu.dma_semaphore, #tpu.memory_space<semaphore_mem>>
    tpu.wait_indirect_dma semaphore(%dma_wait3A_176 : memref<!tpu.dma_semaphore, #tpu.memory_space<semaphore_mem>>) src(%dma_wait3A_174 : memref<100001x128xf32, #tpu.memory_space<hbm>>) dst(%dma_wait3A_169 : memref<256x128xf32, #tpu.memory_space<vmem>>)
    %add3A_177 = arith.constant 512 : i32
    %add3A_178 = arith.addi %mul3A_2, %add3A_177 : i32
    %dma_start3A_179 = arith.constant 2 : i32
    %dma_start3A_180 = arith.constant 2 : i32
    %dma_start3A_181 = arith.constant 0 : i32
    %dma_start3A_182 = arith.constant 0 : i32
    %dma_start3A_183 = tpu.memref_slice %arg6[%dma_start3A_179, %dma_start3A_181, %dma_start3A_182] : memref<3x256x128xf32, #tpu.memory_space<vmem>> -> memref<1x256x128xf32, #tpu.memory_space<vmem>>
    %dma_start3A_184 = tpu.memref_squeeze %dma_start3A_183 : memref<1x256x128xf32, #tpu.memory_space<vmem>> -> memref<256x128xf32, #tpu.memory_space<vmem>>
    %dma_start3A_185 = arith.constant 0 : i32
    %dma_start3A_186 = tpu.memref_slice %arg4[%add3A_178, %dma_start3A_185] : memref<106496x128xf32, #tpu.memory_space<hbm>> -> memref<256x128xf32, #tpu.memory_space<hbm>>
    %dma_start3A_187 = tpu.memref_slice %arg8[%dma_start3A_180] : memref<3x!tpu.dma_semaphore, #tpu.memory_space<semaphore_mem>> -> memref<1x!tpu.dma_semaphore, #tpu.memory_space<semaphore_mem>>
    %dma_start3A_188 = tpu.memref_squeeze %dma_start3A_187 : memref<1x!tpu.dma_semaphore, #tpu.memory_space<semaphore_mem>> -> memref<!tpu.dma_semaphore, #tpu.memory_space<semaphore_mem>>
    %dma_start3A_189 = arith.constant 0 : i32
    %dma_start3A_190 = tpu.memref_slice %arg4[%add3A_178, %dma_start3A_189] : memref<106496x128xf32, #tpu.memory_space<hbm>> -> memref<256x128xf32, #tpu.memory_space<hbm>>
    %dma_start3A_191 = arith.constant 0 : i32
    %dma_start3A_192 = arith.constant 0 : i32
    %dma_start3A_193 = tpu.memref_slice %arg6[%dma_start3A_179, %dma_start3A_191, %dma_start3A_192] : memref<3x256x128xf32, #tpu.memory_space<vmem>> -> memref<1x256x128xf32, #tpu.memory_space<vmem>>
    %dma_start3A_194 = tpu.memref_squeeze %dma_start3A_193 : memref<1x256x128xf32, #tpu.memory_space<vmem>> -> memref<256x128xf32, #tpu.memory_space<vmem>>
    tpu.enqueue_dma source(%dma_start3A_194 : memref<256x128xf32, #tpu.memory_space<vmem>>) target(%dma_start3A_190 : memref<256x128xf32, #tpu.memory_space<hbm>>) target_semaphore(%dma_start3A_188 : memref<!tpu.dma_semaphore, #tpu.memory_space<semaphore_mem>>)
    %add3A_195 = arith.constant 512 : i32
    %add3A_196 = arith.addi %mul3A_2, %add3A_195 : i32
    %dma_wait3A_197 = arith.constant 2 : i32
    %dma_wait3A_198 = arith.constant 2 : i32
    %dma_wait3A_199 = arith.constant 0 : i32
    %dma_wait3A_200 = arith.constant 0 : i32
    %dma_wait3A_201 = tpu.memref_slice %arg6[%dma_wait3A_197, %dma_wait3A_199, %dma_wait3A_200] : memref<3x256x128xf32, #tpu.memory_space<vmem>> -> memref<1x256x128xf32, #tpu.memory_space<vmem>>
    %dma_wait3A_202 = tpu.memref_squeeze %dma_wait3A_201 : memref<1x256x128xf32, #tpu.memory_space<vmem>> -> memref<256x128xf32, #tpu.memory_space<vmem>>
    %dma_wait3A_203 = arith.constant 0 : i32
    %dma_wait3A_204 = tpu.memref_slice %arg4[%add3A_196, %dma_wait3A_203] : memref<106496x128xf32, #tpu.memory_space<hbm>> -> memref<256x128xf32, #tpu.memory_space<hbm>>
    %dma_wait3A_205 = tpu.memref_slice %arg8[%dma_wait3A_198] : memref<3x!tpu.dma_semaphore, #tpu.memory_space<semaphore_mem>> -> memref<1x!tpu.dma_semaphore, #tpu.memory_space<semaphore_mem>>
    %dma_wait3A_206 = tpu.memref_squeeze %dma_wait3A_205 : memref<1x!tpu.dma_semaphore, #tpu.memory_space<semaphore_mem>> -> memref<!tpu.dma_semaphore, #tpu.memory_space<semaphore_mem>>
    %dma_wait3A_207 = arith.constant 0 : i32
    %dma_wait3A_208 = tpu.memref_slice %arg4[%add3A_196, %dma_wait3A_207] : memref<106496x128xf32, #tpu.memory_space<hbm>> -> memref<256x128xf32, #tpu.memory_space<hbm>>
    %dma_wait3A_209 = arith.constant 0 : i32
    %dma_wait3A_210 = arith.constant 0 : i32
    %dma_wait3A_211 = tpu.memref_slice %arg6[%dma_wait3A_197, %dma_wait3A_209, %dma_wait3A_210] : memref<3x256x128xf32, #tpu.memory_space<vmem>> -> memref<1x256x128xf32, #tpu.memory_space<vmem>>
    %dma_wait3A_212 = tpu.memref_squeeze %dma_wait3A_211 : memref<1x256x128xf32, #tpu.memory_space<vmem>> -> memref<256x128xf32, #tpu.memory_space<vmem>>
    tpu.wait_dma2 semaphore(%dma_wait3A_206 : memref<!tpu.dma_semaphore, #tpu.memory_space<semaphore_mem>>) src(%dma_wait3A_212 : memref<256x128xf32, #tpu.memory_space<vmem>>) dst(%dma_wait3A_208 : memref<256x128xf32, #tpu.memory_space<hbm>>)
    %dma_start3A_213 = arith.constant 2 : i32
    %dma_start3A_214 = arith.constant 2 : i32
    %dma_start3A_215 = arith.constant 0 : i32
    %dma_start3A_216 = arith.constant 0 : i32
    %dma_start3A_217 = tpu.memref_slice %arg6[%dma_start3A_213, %dma_start3A_215, %dma_start3A_216] : memref<3x256x128xf32, #tpu.memory_space<vmem>> -> memref<1x256x128xf32, #tpu.memory_space<vmem>>
    %dma_start3A_218 = tpu.memref_squeeze %dma_start3A_217 : memref<1x256x128xf32, #tpu.memory_space<vmem>> -> memref<256x128xf32, #tpu.memory_space<vmem>>
    %dma_start3A_219 = arith.constant 1280 : i32
    %dma_start3A_220 = tpu.memref_slice %arg5[%dma_start3A_219] : memref<3328xi32, #tpu.memory_space<vmem>> -> memref<256xi32, #tpu.memory_space<vmem>>
    %dma_start3A_221 = arith.constant 0 : i32
    %dma_start3A_222 = arith.constant 0 : i32
    %dma_start3A_223 = tpu.memref_slice %arg2[%dma_start3A_221, %dma_start3A_222] : memref<100001x128xf32, #tpu.memory_space<hbm>> -> memref<100001x128xf32, #tpu.memory_space<hbm>>
    %dma_start3A_224 = tpu.memref_slice %arg7[%dma_start3A_214] : memref<3x!tpu.dma_semaphore, #tpu.memory_space<semaphore_mem>> -> memref<1x!tpu.dma_semaphore, #tpu.memory_space<semaphore_mem>>
    %dma_start3A_225 = tpu.memref_squeeze %dma_start3A_224 : memref<1x!tpu.dma_semaphore, #tpu.memory_space<semaphore_mem>> -> memref<!tpu.dma_semaphore, #tpu.memory_space<semaphore_mem>>
    tpu.enqueue_indirect_dma source(%dma_start3A_223 : memref<100001x128xf32, #tpu.memory_space<hbm>>) target(%dma_start3A_218 : memref<256x128xf32, #tpu.memory_space<vmem>>) offsets(%dma_start3A_220 : memref<256xi32, #tpu.memory_space<vmem>>) semaphore(%dma_start3A_225 : memref<!tpu.dma_semaphore, #tpu.memory_space<semaphore_mem>>)
    %dma_wait3A_226 = arith.constant 0 : i32
    %dma_wait3A_227 = arith.constant 0 : i32
    %dma_wait3A_228 = arith.constant 0 : i32
    %dma_wait3A_229 = arith.constant 0 : i32
    %dma_wait3A_230 = tpu.memref_slice %arg6[%dma_wait3A_226, %dma_wait3A_228, %dma_wait3A_229] : memref<3x256x128xf32, #tpu.memory_space<vmem>> -> memref<1x256x128xf32, #tpu.memory_space<vmem>>
    %dma_wait3A_231 = tpu.memref_squeeze %dma_wait3A_230 : memref<1x256x128xf32, #tpu.memory_space<vmem>> -> memref<256x128xf32, #tpu.memory_space<vmem>>
    %dma_wait3A_232 = arith.constant 768 : i32
    %dma_wait3A_233 = tpu.memref_slice %arg5[%dma_wait3A_232] : memref<3328xi32, #tpu.memory_space<vmem>> -> memref<256xi32, #tpu.memory_space<vmem>>
    %dma_wait3A_234 = arith.constant 0 : i32
    %dma_wait3A_235 = arith.constant 0 : i32
    %dma_wait3A_236 = tpu.memref_slice %arg2[%dma_wait3A_234, %dma_wait3A_235] : memref<100001x128xf32, #tpu.memory_space<hbm>> -> memref<100001x128xf32, #tpu.memory_space<hbm>>
    %dma_wait3A_237 = tpu.memref_slice %arg7[%dma_wait3A_227] : memref<3x!tpu.dma_semaphore, #tpu.memory_space<semaphore_mem>> -> memref<1x!tpu.dma_semaphore, #tpu.memory_space<semaphore_mem>>
    %dma_wait3A_238 = tpu.memref_squeeze %dma_wait3A_237 : memref<1x!tpu.dma_semaphore, #tpu.memory_space<semaphore_mem>> -> memref<!tpu.dma_semaphore, #tpu.memory_space<semaphore_mem>>
    tpu.wait_indirect_dma semaphore(%dma_wait3A_238 : memref<!tpu.dma_semaphore, #tpu.memory_space<semaphore_mem>>) src(%dma_wait3A_236 : memref<100001x128xf32, #tpu.memory_space<hbm>>) dst(%dma_wait3A_231 : memref<256x128xf32, #tpu.memory_space<vmem>>)
    %add3A_239 = arith.constant 768 : i32
    %add3A_240 = arith.addi %mul3A_2, %add3A_239 : i32
    %dma_start3A_241 = arith.constant 0 : i32
    %dma_start3A_242 = arith.constant 0 : i32
    %dma_start3A_243 = arith.constant 0 : i32
    %dma_start3A_244 = arith.constant 0 : i32
    %dma_start3A_245 = tpu.memref_slice %arg6[%dma_start3A_241, %dma_start3A_243, %dma_start3A_244] : memref<3x256x128xf32, #tpu.memory_space<vmem>> -> memref<1x256x128xf32, #tpu.memory_space<vmem>>
    %dma_start3A_246 = tpu.memref_squeeze %dma_start3A_245 : memref<1x256x128xf32, #tpu.memory_space<vmem>> -> memref<256x128xf32, #tpu.memory_space<vmem>>
    %dma_start3A_247 = arith.constant 0 : i32
    %dma_start3A_248 = tpu.memref_slice %arg4[%add3A_240, %dma_start3A_247] : memref<106496x128xf32, #tpu.memory_space<hbm>> -> memref<256x128xf32, #tpu.memory_space<hbm>>
    %dma_start3A_249 = tpu.memref_slice %arg8[%dma_start3A_242] : memref<3x!tpu.dma_semaphore, #tpu.memory_space<semaphore_mem>> -> memref<1x!tpu.dma_semaphore, #tpu.memory_space<semaphore_mem>>
    %dma_start3A_250 = tpu.memref_squeeze %dma_start3A_249 : memref<1x!tpu.dma_semaphore, #tpu.memory_space<semaphore_mem>> -> memref<!tpu.dma_semaphore, #tpu.memory_space<semaphore_mem>>
    %dma_start3A_251 = arith.constant 0 : i32
    %dma_start3A_252 = tpu.memref_slice %arg4[%add3A_240, %dma_start3A_251] : memref<106496x128xf32, #tpu.memory_space<hbm>> -> memref<256x128xf32, #tpu.memory_space<hbm>>
    %dma_start3A_253 = arith.constant 0 : i32
    %dma_start3A_254 = arith.constant 0 : i32
    %dma_start3A_255 = tpu.memref_slice %arg6[%dma_start3A_241, %dma_start3A_253, %dma_start3A_254] : memref<3x256x128xf32, #tpu.memory_space<vmem>> -> memref<1x256x128xf32, #tpu.memory_space<vmem>>
    %dma_start3A_256 = tpu.memref_squeeze %dma_start3A_255 : memref<1x256x128xf32, #tpu.memory_space<vmem>> -> memref<256x128xf32, #tpu.memory_space<vmem>>
    tpu.enqueue_dma source(%dma_start3A_256 : memref<256x128xf32, #tpu.memory_space<vmem>>) target(%dma_start3A_252 : memref<256x128xf32, #tpu.memory_space<hbm>>) target_semaphore(%dma_start3A_250 : memref<!tpu.dma_semaphore, #tpu.memory_space<semaphore_mem>>)
    %add3A_257 = arith.constant 768 : i32
    %add3A_258 = arith.addi %mul3A_2, %add3A_257 : i32
    %dma_wait3A_259 = arith.constant 0 : i32
    %dma_wait3A_260 = arith.constant 0 : i32
    %dma_wait3A_261 = arith.constant 0 : i32
    %dma_wait3A_262 = arith.constant 0 : i32
    %dma_wait3A_263 = tpu.memref_slice %arg6[%dma_wait3A_259, %dma_wait3A_261, %dma_wait3A_262] : memref<3x256x128xf32, #tpu.memory_space<vmem>> -> memref<1x256x128xf32, #tpu.memory_space<vmem>>
    %dma_wait3A_264 = tpu.memref_squeeze %dma_wait3A_263 : memref<1x256x128xf32, #tpu.memory_space<vmem>> -> memref<256x128xf32, #tpu.memory_space<vmem>>
    %dma_wait3A_265 = arith.constant 0 : i32
    %dma_wait3A_266 = tpu.memref_slice %arg4[%add3A_258, %dma_wait3A_265] : memref<106496x128xf32, #tpu.memory_space<hbm>> -> memref<256x128xf32, #tpu.memory_space<hbm>>
    %dma_wait3A_267 = tpu.memref_slice %arg8[%dma_wait3A_260] : memref<3x!tpu.dma_semaphore, #tpu.memory_space<semaphore_mem>> -> memref<1x!tpu.dma_semaphore, #tpu.memory_space<semaphore_mem>>
    %dma_wait3A_268 = tpu.memref_squeeze %dma_wait3A_267 : memref<1x!tpu.dma_semaphore, #tpu.memory_space<semaphore_mem>> -> memref<!tpu.dma_semaphore, #tpu.memory_space<semaphore_mem>>
    %dma_wait3A_269 = arith.constant 0 : i32
    %dma_wait3A_270 = tpu.memref_slice %arg4[%add3A_258, %dma_wait3A_269] : memref<106496x128xf32, #tpu.memory_space<hbm>> -> memref<256x128xf32, #tpu.memory_space<hbm>>
    %dma_wait3A_271 = arith.constant 0 : i32
    %dma_wait3A_272 = arith.constant 0 : i32
    %dma_wait3A_273 = tpu.memref_slice %arg6[%dma_wait3A_259, %dma_wait3A_271, %dma_wait3A_272] : memref<3x256x128xf32, #tpu.memory_space<vmem>> -> memref<1x256x128xf32, #tpu.memory_space<vmem>>
    %dma_wait3A_274 = tpu.memref_squeeze %dma_wait3A_273 : memref<1x256x128xf32, #tpu.memory_space<vmem>> -> memref<256x128xf32, #tpu.memory_space<vmem>>
    tpu.wait_dma2 semaphore(%dma_wait3A_268 : memref<!tpu.dma_semaphore, #tpu.memory_space<semaphore_mem>>) src(%dma_wait3A_274 : memref<256x128xf32, #tpu.memory_space<vmem>>) dst(%dma_wait3A_270 : memref<256x128xf32, #tpu.memory_space<hbm>>)
    %dma_start3A_275 = arith.constant 0 : i32
    %dma_start3A_276 = arith.constant 0 : i32
    %dma_start3A_277 = arith.constant 0 : i32
    %dma_start3A_278 = arith.constant 0 : i32
    %dma_start3A_279 = tpu.memref_slice %arg6[%dma_start3A_275, %dma_start3A_277, %dma_start3A_278] : memref<3x256x128xf32, #tpu.memory_space<vmem>> -> memref<1x256x128xf32, #tpu.memory_space<vmem>>
    %dma_start3A_280 = tpu.memref_squeeze %dma_start3A_279 : memref<1x256x128xf32, #tpu.memory_space<vmem>> -> memref<256x128xf32, #tpu.memory_space<vmem>>
    %dma_start3A_281 = arith.constant 1536 : i32
    %dma_start3A_282 = tpu.memref_slice %arg5[%dma_start3A_281] : memref<3328xi32, #tpu.memory_space<vmem>> -> memref<256xi32, #tpu.memory_space<vmem>>
    %dma_start3A_283 = arith.constant 0 : i32
    %dma_start3A_284 = arith.constant 0 : i32
    %dma_start3A_285 = tpu.memref_slice %arg2[%dma_start3A_283, %dma_start3A_284] : memref<100001x128xf32, #tpu.memory_space<hbm>> -> memref<100001x128xf32, #tpu.memory_space<hbm>>
    %dma_start3A_286 = tpu.memref_slice %arg7[%dma_start3A_276] : memref<3x!tpu.dma_semaphore, #tpu.memory_space<semaphore_mem>> -> memref<1x!tpu.dma_semaphore, #tpu.memory_space<semaphore_mem>>
    %dma_start3A_287 = tpu.memref_squeeze %dma_start3A_286 : memref<1x!tpu.dma_semaphore, #tpu.memory_space<semaphore_mem>> -> memref<!tpu.dma_semaphore, #tpu.memory_space<semaphore_mem>>
    tpu.enqueue_indirect_dma source(%dma_start3A_285 : memref<100001x128xf32, #tpu.memory_space<hbm>>) target(%dma_start3A_280 : memref<256x128xf32, #tpu.memory_space<vmem>>) offsets(%dma_start3A_282 : memref<256xi32, #tpu.memory_space<vmem>>) semaphore(%dma_start3A_287 : memref<!tpu.dma_semaphore, #tpu.memory_space<semaphore_mem>>)
    %dma_wait3A_288 = arith.constant 1 : i32
    %dma_wait3A_289 = arith.constant 1 : i32
    %dma_wait3A_290 = arith.constant 0 : i32
    %dma_wait3A_291 = arith.constant 0 : i32
    %dma_wait3A_292 = tpu.memref_slice %arg6[%dma_wait3A_288, %dma_wait3A_290, %dma_wait3A_291] : memref<3x256x128xf32, #tpu.memory_space<vmem>> -> memref<1x256x128xf32, #tpu.memory_space<vmem>>
    %dma_wait3A_293 = tpu.memref_squeeze %dma_wait3A_292 : memref<1x256x128xf32, #tpu.memory_space<vmem>> -> memref<256x128xf32, #tpu.memory_space<vmem>>
    %dma_wait3A_294 = arith.constant 1024 : i32
    %dma_wait3A_295 = tpu.memref_slice %arg5[%dma_wait3A_294] : memref<3328xi32, #tpu.memory_space<vmem>> -> memref<256xi32, #tpu.memory_space<vmem>>
    %dma_wait3A_296 = arith.constant 0 : i32
    %dma_wait3A_297 = arith.constant 0 : i32
    %dma_wait3A_298 = tpu.memref_slice %arg2[%dma_wait3A_296, %dma_wait3A_297] : memref<100001x128xf32, #tpu.memory_space<hbm>> -> memref<100001x128xf32, #tpu.memory_space<hbm>>
    %dma_wait3A_299 = tpu.memref_slice %arg7[%dma_wait3A_289] : memref<3x!tpu.dma_semaphore, #tpu.memory_space<semaphore_mem>> -> memref<1x!tpu.dma_semaphore, #tpu.memory_space<semaphore_mem>>
    %dma_wait3A_300 = tpu.memref_squeeze %dma_wait3A_299 : memref<1x!tpu.dma_semaphore, #tpu.memory_space<semaphore_mem>> -> memref<!tpu.dma_semaphore, #tpu.memory_space<semaphore_mem>>
    tpu.wait_indirect_dma semaphore(%dma_wait3A_300 : memref<!tpu.dma_semaphore, #tpu.memory_space<semaphore_mem>>) src(%dma_wait3A_298 : memref<100001x128xf32, #tpu.memory_space<hbm>>) dst(%dma_wait3A_293 : memref<256x128xf32, #tpu.memory_space<vmem>>)
    %add3A_301 = arith.constant 1024 : i32
    %add3A_302 = arith.addi %mul3A_2, %add3A_301 : i32
    %dma_start3A_303 = arith.constant 1 : i32
    %dma_start3A_304 = arith.constant 1 : i32
    %dma_start3A_305 = arith.constant 0 : i32
    %dma_start3A_306 = arith.constant 0 : i32
    %dma_start3A_307 = tpu.memref_slice %arg6[%dma_start3A_303, %dma_start3A_305, %dma_start3A_306] : memref<3x256x128xf32, #tpu.memory_space<vmem>> -> memref<1x256x128xf32, #tpu.memory_space<vmem>>
    %dma_start3A_308 = tpu.memref_squeeze %dma_start3A_307 : memref<1x256x128xf32, #tpu.memory_space<vmem>> -> memref<256x128xf32, #tpu.memory_space<vmem>>
    %dma_start3A_309 = arith.constant 0 : i32
    %dma_start3A_310 = tpu.memref_slice %arg4[%add3A_302, %dma_start3A_309] : memref<106496x128xf32, #tpu.memory_space<hbm>> -> memref<256x128xf32, #tpu.memory_space<hbm>>
    %dma_start3A_311 = tpu.memref_slice %arg8[%dma_start3A_304] : memref<3x!tpu.dma_semaphore, #tpu.memory_space<semaphore_mem>> -> memref<1x!tpu.dma_semaphore, #tpu.memory_space<semaphore_mem>>
    %dma_start3A_312 = tpu.memref_squeeze %dma_start3A_311 : memref<1x!tpu.dma_semaphore, #tpu.memory_space<semaphore_mem>> -> memref<!tpu.dma_semaphore, #tpu.memory_space<semaphore_mem>>
    %dma_start3A_313 = arith.constant 0 : i32
    %dma_start3A_314 = tpu.memref_slice %arg4[%add3A_302, %dma_start3A_313] : memref<106496x128xf32, #tpu.memory_space<hbm>> -> memref<256x128xf32, #tpu.memory_space<hbm>>
    %dma_start3A_315 = arith.constant 0 : i32
    %dma_start3A_316 = arith.constant 0 : i32
    %dma_start3A_317 = tpu.memref_slice %arg6[%dma_start3A_303, %dma_start3A_315, %dma_start3A_316] : memref<3x256x128xf32, #tpu.memory_space<vmem>> -> memref<1x256x128xf32, #tpu.memory_space<vmem>>
    %dma_start3A_318 = tpu.memref_squeeze %dma_start3A_317 : memref<1x256x128xf32, #tpu.memory_space<vmem>> -> memref<256x128xf32, #tpu.memory_space<vmem>>
    tpu.enqueue_dma source(%dma_start3A_318 : memref<256x128xf32, #tpu.memory_space<vmem>>) target(%dma_start3A_314 : memref<256x128xf32, #tpu.memory_space<hbm>>) target_semaphore(%dma_start3A_312 : memref<!tpu.dma_semaphore, #tpu.memory_space<semaphore_mem>>)
    %add3A_319 = arith.constant 1024 : i32
    %add3A_320 = arith.addi %mul3A_2, %add3A_319 : i32
    %dma_wait3A_321 = arith.constant 1 : i32
    %dma_wait3A_322 = arith.constant 1 : i32
    %dma_wait3A_323 = arith.constant 0 : i32
    %dma_wait3A_324 = arith.constant 0 : i32
    %dma_wait3A_325 = tpu.memref_slice %arg6[%dma_wait3A_321, %dma_wait3A_323, %dma_wait3A_324] : memref<3x256x128xf32, #tpu.memory_space<vmem>> -> memref<1x256x128xf32, #tpu.memory_space<vmem>>
    %dma_wait3A_326 = tpu.memref_squeeze %dma_wait3A_325 : memref<1x256x128xf32, #tpu.memory_space<vmem>> -> memref<256x128xf32, #tpu.memory_space<vmem>>
    %dma_wait3A_327 = arith.constant 0 : i32
    %dma_wait3A_328 = tpu.memref_slice %arg4[%add3A_320, %dma_wait3A_327] : memref<106496x128xf32, #tpu.memory_space<hbm>> -> memref<256x128xf32, #tpu.memory_space<hbm>>
    %dma_wait3A_329 = tpu.memref_slice %arg8[%dma_wait3A_322] : memref<3x!tpu.dma_semaphore, #tpu.memory_space<semaphore_mem>> -> memref<1x!tpu.dma_semaphore, #tpu.memory_space<semaphore_mem>>
    %dma_wait3A_330 = tpu.memref_squeeze %dma_wait3A_329 : memref<1x!tpu.dma_semaphore, #tpu.memory_space<semaphore_mem>> -> memref<!tpu.dma_semaphore, #tpu.memory_space<semaphore_mem>>
    %dma_wait3A_331 = arith.constant 0 : i32
    %dma_wait3A_332 = tpu.memref_slice %arg4[%add3A_320, %dma_wait3A_331] : memref<106496x128xf32, #tpu.memory_space<hbm>> -> memref<256x128xf32, #tpu.memory_space<hbm>>
    %dma_wait3A_333 = arith.constant 0 : i32
    %dma_wait3A_334 = arith.constant 0 : i32
    %dma_wait3A_335 = tpu.memref_slice %arg6[%dma_wait3A_321, %dma_wait3A_333, %dma_wait3A_334] : memref<3x256x128xf32, #tpu.memory_space<vmem>> -> memref<1x256x128xf32, #tpu.memory_space<vmem>>
    %dma_wait3A_336 = tpu.memref_squeeze %dma_wait3A_335 : memref<1x256x128xf32, #tpu.memory_space<vmem>> -> memref<256x128xf32, #tpu.memory_space<vmem>>
    tpu.wait_dma2 semaphore(%dma_wait3A_330 : memref<!tpu.dma_semaphore, #tpu.memory_space<semaphore_mem>>) src(%dma_wait3A_336 : memref<256x128xf32, #tpu.memory_space<vmem>>) dst(%dma_wait3A_332 : memref<256x128xf32, #tpu.memory_space<hbm>>)
    %dma_start3A_337 = arith.constant 1 : i32
    %dma_start3A_338 = arith.constant 1 : i32
    %dma_start3A_339 = arith.constant 0 : i32
    %dma_start3A_340 = arith.constant 0 : i32
    %dma_start3A_341 = tpu.memref_slice %arg6[%dma_start3A_337, %dma_start3A_339, %dma_start3A_340] : memref<3x256x128xf32, #tpu.memory_space<vmem>> -> memref<1x256x128xf32, #tpu.memory_space<vmem>>
    %dma_start3A_342 = tpu.memref_squeeze %dma_start3A_341 : memref<1x256x128xf32, #tpu.memory_space<vmem>> -> memref<256x128xf32, #tpu.memory_space<vmem>>
    %dma_start3A_343 = arith.constant 1792 : i32
    %dma_start3A_344 = tpu.memref_slice %arg5[%dma_start3A_343] : memref<3328xi32, #tpu.memory_space<vmem>> -> memref<256xi32, #tpu.memory_space<vmem>>
    %dma_start3A_345 = arith.constant 0 : i32
    %dma_start3A_346 = arith.constant 0 : i32
    %dma_start3A_347 = tpu.memref_slice %arg2[%dma_start3A_345, %dma_start3A_346] : memref<100001x128xf32, #tpu.memory_space<hbm>> -> memref<100001x128xf32, #tpu.memory_space<hbm>>
    %dma_start3A_348 = tpu.memref_slice %arg7[%dma_start3A_338] : memref<3x!tpu.dma_semaphore, #tpu.memory_space<semaphore_mem>> -> memref<1x!tpu.dma_semaphore, #tpu.memory_space<semaphore_mem>>
    %dma_start3A_349 = tpu.memref_squeeze %dma_start3A_348 : memref<1x!tpu.dma_semaphore, #tpu.memory_space<semaphore_mem>> -> memref<!tpu.dma_semaphore, #tpu.memory_space<semaphore_mem>>
    tpu.enqueue_indirect_dma source(%dma_start3A_347 : memref<100001x128xf32, #tpu.memory_space<hbm>>) target(%dma_start3A_342 : memref<256x128xf32, #tpu.memory_space<vmem>>) offsets(%dma_start3A_344 : memref<256xi32, #tpu.memory_space<vmem>>) semaphore(%dma_start3A_349 : memref<!tpu.dma_semaphore, #tpu.memory_space<semaphore_mem>>)
    %dma_wait3A_350 = arith.constant 2 : i32
    %dma_wait3A_351 = arith.constant 2 : i32
    %dma_wait3A_352 = arith.constant 0 : i32
    %dma_wait3A_353 = arith.constant 0 : i32
    %dma_wait3A_354 = tpu.memref_slice %arg6[%dma_wait3A_350, %dma_wait3A_352, %dma_wait3A_353] : memref<3x256x128xf32, #tpu.memory_space<vmem>> -> memref<1x256x128xf32, #tpu.memory_space<vmem>>
    %dma_wait3A_355 = tpu.memref_squeeze %dma_wait3A_354 : memref<1x256x128xf32, #tpu.memory_space<vmem>> -> memref<256x128xf32, #tpu.memory_space<vmem>>
    %dma_wait3A_356 = arith.constant 1280 : i32
    %dma_wait3A_357 = tpu.memref_slice %arg5[%dma_wait3A_356] : memref<3328xi32, #tpu.memory_space<vmem>> -> memref<256xi32, #tpu.memory_space<vmem>>
    %dma_wait3A_358 = arith.constant 0 : i32
    %dma_wait3A_359 = arith.constant 0 : i32
    %dma_wait3A_360 = tpu.memref_slice %arg2[%dma_wait3A_358, %dma_wait3A_359] : memref<100001x128xf32, #tpu.memory_space<hbm>> -> memref<100001x128xf32, #tpu.memory_space<hbm>>
    %dma_wait3A_361 = tpu.memref_slice %arg7[%dma_wait3A_351] : memref<3x!tpu.dma_semaphore, #tpu.memory_space<semaphore_mem>> -> memref<1x!tpu.dma_semaphore, #tpu.memory_space<semaphore_mem>>
    %dma_wait3A_362 = tpu.memref_squeeze %dma_wait3A_361 : memref<1x!tpu.dma_semaphore, #tpu.memory_space<semaphore_mem>> -> memref<!tpu.dma_semaphore, #tpu.memory_space<semaphore_mem>>
    tpu.wait_indirect_dma semaphore(%dma_wait3A_362 : memref<!tpu.dma_semaphore, #tpu.memory_space<semaphore_mem>>) src(%dma_wait3A_360 : memref<100001x128xf32, #tpu.memory_space<hbm>>) dst(%dma_wait3A_355 : memref<256x128xf32, #tpu.memory_space<vmem>>)
    %add3A_363 = arith.constant 1280 : i32
    %add3A_364 = arith.addi %mul3A_2, %add3A_363 : i32
    %dma_start3A_365 = arith.constant 2 : i32
    %dma_start3A_366 = arith.constant 2 : i32
    %dma_start3A_367 = arith.constant 0 : i32
    %dma_start3A_368 = arith.constant 0 : i32
    %dma_start3A_369 = tpu.memref_slice %arg6[%dma_start3A_365, %dma_start3A_367, %dma_start3A_368] : memref<3x256x128xf32, #tpu.memory_space<vmem>> -> memref<1x256x128xf32, #tpu.memory_space<vmem>>
    %dma_start3A_370 = tpu.memref_squeeze %dma_start3A_369 : memref<1x256x128xf32, #tpu.memory_space<vmem>> -> memref<256x128xf32, #tpu.memory_space<vmem>>
    %dma_start3A_371 = arith.constant 0 : i32
    %dma_start3A_372 = tpu.memref_slice %arg4[%add3A_364, %dma_start3A_371] : memref<106496x128xf32, #tpu.memory_space<hbm>> -> memref<256x128xf32, #tpu.memory_space<hbm>>
    %dma_start3A_373 = tpu.memref_slice %arg8[%dma_start3A_366] : memref<3x!tpu.dma_semaphore, #tpu.memory_space<semaphore_mem>> -> memref<1x!tpu.dma_semaphore, #tpu.memory_space<semaphore_mem>>
    %dma_start3A_374 = tpu.memref_squeeze %dma_start3A_373 : memref<1x!tpu.dma_semaphore, #tpu.memory_space<semaphore_mem>> -> memref<!tpu.dma_semaphore, #tpu.memory_space<semaphore_mem>>
    %dma_start3A_375 = arith.constant 0 : i32
    %dma_start3A_376 = tpu.memref_slice %arg4[%add3A_364, %dma_start3A_375] : memref<106496x128xf32, #tpu.memory_space<hbm>> -> memref<256x128xf32, #tpu.memory_space<hbm>>
    %dma_start3A_377 = arith.constant 0 : i32
    %dma_start3A_378 = arith.constant 0 : i32
    %dma_start3A_379 = tpu.memref_slice %arg6[%dma_start3A_365, %dma_start3A_377, %dma_start3A_378] : memref<3x256x128xf32, #tpu.memory_space<vmem>> -> memref<1x256x128xf32, #tpu.memory_space<vmem>>
    %dma_start3A_380 = tpu.memref_squeeze %dma_start3A_379 : memref<1x256x128xf32, #tpu.memory_space<vmem>> -> memref<256x128xf32, #tpu.memory_space<vmem>>
    tpu.enqueue_dma source(%dma_start3A_380 : memref<256x128xf32, #tpu.memory_space<vmem>>) target(%dma_start3A_376 : memref<256x128xf32, #tpu.memory_space<hbm>>) target_semaphore(%dma_start3A_374 : memref<!tpu.dma_semaphore, #tpu.memory_space<semaphore_mem>>)
    %add3A_381 = arith.constant 1280 : i32
    %add3A_382 = arith.addi %mul3A_2, %add3A_381 : i32
    %dma_wait3A_383 = arith.constant 2 : i32
    %dma_wait3A_384 = arith.constant 2 : i32
    %dma_wait3A_385 = arith.constant 0 : i32
    %dma_wait3A_386 = arith.constant 0 : i32
    %dma_wait3A_387 = tpu.memref_slice %arg6[%dma_wait3A_383, %dma_wait3A_385, %dma_wait3A_386] : memref<3x256x128xf32, #tpu.memory_space<vmem>> -> memref<1x256x128xf32, #tpu.memory_space<vmem>>
    %dma_wait3A_388 = tpu.memref_squeeze %dma_wait3A_387 : memref<1x256x128xf32, #tpu.memory_space<vmem>> -> memref<256x128xf32, #tpu.memory_space<vmem>>
    %dma_wait3A_389 = arith.constant 0 : i32
    %dma_wait3A_390 = tpu.memref_slice %arg4[%add3A_382, %dma_wait3A_389] : memref<106496x128xf32, #tpu.memory_space<hbm>> -> memref<256x128xf32, #tpu.memory_space<hbm>>
    %dma_wait3A_391 = tpu.memref_slice %arg8[%dma_wait3A_384] : memref<3x!tpu.dma_semaphore, #tpu.memory_space<semaphore_mem>> -> memref<1x!tpu.dma_semaphore, #tpu.memory_space<semaphore_mem>>
    %dma_wait3A_392 = tpu.memref_squeeze %dma_wait3A_391 : memref<1x!tpu.dma_semaphore, #tpu.memory_space<semaphore_mem>> -> memref<!tpu.dma_semaphore, #tpu.memory_space<semaphore_mem>>
    %dma_wait3A_393 = arith.constant 0 : i32
    %dma_wait3A_394 = tpu.memref_slice %arg4[%add3A_382, %dma_wait3A_393] : memref<106496x128xf32, #tpu.memory_space<hbm>> -> memref<256x128xf32, #tpu.memory_space<hbm>>
    %dma_wait3A_395 = arith.constant 0 : i32
    %dma_wait3A_396 = arith.constant 0 : i32
    %dma_wait3A_397 = tpu.memref_slice %arg6[%dma_wait3A_383, %dma_wait3A_395, %dma_wait3A_396] : memref<3x256x128xf32, #tpu.memory_space<vmem>> -> memref<1x256x128xf32, #tpu.memory_space<vmem>>
    %dma_wait3A_398 = tpu.memref_squeeze %dma_wait3A_397 : memref<1x256x128xf32, #tpu.memory_space<vmem>> -> memref<256x128xf32, #tpu.memory_space<vmem>>
    tpu.wait_dma2 semaphore(%dma_wait3A_392 : memref<!tpu.dma_semaphore, #tpu.memory_space<semaphore_mem>>) src(%dma_wait3A_398 : memref<256x128xf32, #tpu.memory_space<vmem>>) dst(%dma_wait3A_394 : memref<256x128xf32, #tpu.memory_space<hbm>>)
    %dma_start3A_399 = arith.constant 2 : i32
    %dma_start3A_400 = arith.constant 2 : i32
    %dma_start3A_401 = arith.constant 0 : i32
    %dma_start3A_402 = arith.constant 0 : i32
    %dma_start3A_403 = tpu.memref_slice %arg6[%dma_start3A_399, %dma_start3A_401, %dma_start3A_402] : memref<3x256x128xf32, #tpu.memory_space<vmem>> -> memref<1x256x128xf32, #tpu.memory_space<vmem>>
    %dma_start3A_404 = tpu.memref_squeeze %dma_start3A_403 : memref<1x256x128xf32, #tpu.memory_space<vmem>> -> memref<256x128xf32, #tpu.memory_space<vmem>>
    %dma_start3A_405 = arith.constant 2048 : i32
    %dma_start3A_406 = tpu.memref_slice %arg5[%dma_start3A_405] : memref<3328xi32, #tpu.memory_space<vmem>> -> memref<256xi32, #tpu.memory_space<vmem>>
    %dma_start3A_407 = arith.constant 0 : i32
    %dma_start3A_408 = arith.constant 0 : i32
    %dma_start3A_409 = tpu.memref_slice %arg2[%dma_start3A_407, %dma_start3A_408] : memref<100001x128xf32, #tpu.memory_space<hbm>> -> memref<100001x128xf32, #tpu.memory_space<hbm>>
    %dma_start3A_410 = tpu.memref_slice %arg7[%dma_start3A_400] : memref<3x!tpu.dma_semaphore, #tpu.memory_space<semaphore_mem>> -> memref<1x!tpu.dma_semaphore, #tpu.memory_space<semaphore_mem>>
    %dma_start3A_411 = tpu.memref_squeeze %dma_start3A_410 : memref<1x!tpu.dma_semaphore, #tpu.memory_space<semaphore_mem>> -> memref<!tpu.dma_semaphore, #tpu.memory_space<semaphore_mem>>
    tpu.enqueue_indirect_dma source(%dma_start3A_409 : memref<100001x128xf32, #tpu.memory_space<hbm>>) target(%dma_start3A_404 : memref<256x128xf32, #tpu.memory_space<vmem>>) offsets(%dma_start3A_406 : memref<256xi32, #tpu.memory_space<vmem>>) semaphore(%dma_start3A_411 : memref<!tpu.dma_semaphore, #tpu.memory_space<semaphore_mem>>)
    %dma_wait3A_412 = arith.constant 0 : i32
    %dma_wait3A_413 = arith.constant 0 : i32
    %dma_wait3A_414 = arith.constant 0 : i32
    %dma_wait3A_415 = arith.constant 0 : i32
    %dma_wait3A_416 = tpu.memref_slice %arg6[%dma_wait3A_412, %dma_wait3A_414, %dma_wait3A_415] : memref<3x256x128xf32, #tpu.memory_space<vmem>> -> memref<1x256x128xf32, #tpu.memory_space<vmem>>
    %dma_wait3A_417 = tpu.memref_squeeze %dma_wait3A_416 : memref<1x256x128xf32, #tpu.memory_space<vmem>> -> memref<256x128xf32, #tpu.memory_space<vmem>>
    %dma_wait3A_418 = arith.constant 1536 : i32
    %dma_wait3A_419 = tpu.memref_slice %arg5[%dma_wait3A_418] : memref<3328xi32, #tpu.memory_space<vmem>> -> memref<256xi32, #tpu.memory_space<vmem>>
    %dma_wait3A_420 = arith.constant 0 : i32
    %dma_wait3A_421 = arith.constant 0 : i32
    %dma_wait3A_422 = tpu.memref_slice %arg2[%dma_wait3A_420, %dma_wait3A_421] : memref<100001x128xf32, #tpu.memory_space<hbm>> -> memref<100001x128xf32, #tpu.memory_space<hbm>>
    %dma_wait3A_423 = tpu.memref_slice %arg7[%dma_wait3A_413] : memref<3x!tpu.dma_semaphore, #tpu.memory_space<semaphore_mem>> -> memref<1x!tpu.dma_semaphore, #tpu.memory_space<semaphore_mem>>
    %dma_wait3A_424 = tpu.memref_squeeze %dma_wait3A_423 : memref<1x!tpu.dma_semaphore, #tpu.memory_space<semaphore_mem>> -> memref<!tpu.dma_semaphore, #tpu.memory_space<semaphore_mem>>
    tpu.wait_indirect_dma semaphore(%dma_wait3A_424 : memref<!tpu.dma_semaphore, #tpu.memory_space<semaphore_mem>>) src(%dma_wait3A_422 : memref<100001x128xf32, #tpu.memory_space<hbm>>) dst(%dma_wait3A_417 : memref<256x128xf32, #tpu.memory_space<vmem>>)
    %add3A_425 = arith.constant 1536 : i32
    %add3A_426 = arith.addi %mul3A_2, %add3A_425 : i32
    %dma_start3A_427 = arith.constant 0 : i32
    %dma_start3A_428 = arith.constant 0 : i32
    %dma_start3A_429 = arith.constant 0 : i32
    %dma_start3A_430 = arith.constant 0 : i32
    %dma_start3A_431 = tpu.memref_slice %arg6[%dma_start3A_427, %dma_start3A_429, %dma_start3A_430] : memref<3x256x128xf32, #tpu.memory_space<vmem>> -> memref<1x256x128xf32, #tpu.memory_space<vmem>>
    %dma_start3A_432 = tpu.memref_squeeze %dma_start3A_431 : memref<1x256x128xf32, #tpu.memory_space<vmem>> -> memref<256x128xf32, #tpu.memory_space<vmem>>
    %dma_start3A_433 = arith.constant 0 : i32
    %dma_start3A_434 = tpu.memref_slice %arg4[%add3A_426, %dma_start3A_433] : memref<106496x128xf32, #tpu.memory_space<hbm>> -> memref<256x128xf32, #tpu.memory_space<hbm>>
    %dma_start3A_435 = tpu.memref_slice %arg8[%dma_start3A_428] : memref<3x!tpu.dma_semaphore, #tpu.memory_space<semaphore_mem>> -> memref<1x!tpu.dma_semaphore, #tpu.memory_space<semaphore_mem>>
    %dma_start3A_436 = tpu.memref_squeeze %dma_start3A_435 : memref<1x!tpu.dma_semaphore, #tpu.memory_space<semaphore_mem>> -> memref<!tpu.dma_semaphore, #tpu.memory_space<semaphore_mem>>
    %dma_start3A_437 = arith.constant 0 : i32
    %dma_start3A_438 = tpu.memref_slice %arg4[%add3A_426, %dma_start3A_437] : memref<106496x128xf32, #tpu.memory_space<hbm>> -> memref<256x128xf32, #tpu.memory_space<hbm>>
    %dma_start3A_439 = arith.constant 0 : i32
    %dma_start3A_440 = arith.constant 0 : i32
    %dma_start3A_441 = tpu.memref_slice %arg6[%dma_start3A_427, %dma_start3A_439, %dma_start3A_440] : memref<3x256x128xf32, #tpu.memory_space<vmem>> -> memref<1x256x128xf32, #tpu.memory_space<vmem>>
    %dma_start3A_442 = tpu.memref_squeeze %dma_start3A_441 : memref<1x256x128xf32, #tpu.memory_space<vmem>> -> memref<256x128xf32, #tpu.memory_space<vmem>>
    tpu.enqueue_dma source(%dma_start3A_442 : memref<256x128xf32, #tpu.memory_space<vmem>>) target(%dma_start3A_438 : memref<256x128xf32, #tpu.memory_space<hbm>>) target_semaphore(%dma_start3A_436 : memref<!tpu.dma_semaphore, #tpu.memory_space<semaphore_mem>>)
    %add3A_443 = arith.constant 1536 : i32
    %add3A_444 = arith.addi %mul3A_2, %add3A_443 : i32
    %dma_wait3A_445 = arith.constant 0 : i32
    %dma_wait3A_446 = arith.constant 0 : i32
    %dma_wait3A_447 = arith.constant 0 : i32
    %dma_wait3A_448 = arith.constant 0 : i32
    %dma_wait3A_449 = tpu.memref_slice %arg6[%dma_wait3A_445, %dma_wait3A_447, %dma_wait3A_448] : memref<3x256x128xf32, #tpu.memory_space<vmem>> -> memref<1x256x128xf32, #tpu.memory_space<vmem>>
    %dma_wait3A_450 = tpu.memref_squeeze %dma_wait3A_449 : memref<1x256x128xf32, #tpu.memory_space<vmem>> -> memref<256x128xf32, #tpu.memory_space<vmem>>
    %dma_wait3A_451 = arith.constant 0 : i32
    %dma_wait3A_452 = tpu.memref_slice %arg4[%add3A_444, %dma_wait3A_451] : memref<106496x128xf32, #tpu.memory_space<hbm>> -> memref<256x128xf32, #tpu.memory_space<hbm>>
    %dma_wait3A_453 = tpu.memref_slice %arg8[%dma_wait3A_446] : memref<3x!tpu.dma_semaphore, #tpu.memory_space<semaphore_mem>> -> memref<1x!tpu.dma_semaphore, #tpu.memory_space<semaphore_mem>>
    %dma_wait3A_454 = tpu.memref_squeeze %dma_wait3A_453 : memref<1x!tpu.dma_semaphore, #tpu.memory_space<semaphore_mem>> -> memref<!tpu.dma_semaphore, #tpu.memory_space<semaphore_mem>>
    %dma_wait3A_455 = arith.constant 0 : i32
    %dma_wait3A_456 = tpu.memref_slice %arg4[%add3A_444, %dma_wait3A_455] : memref<106496x128xf32, #tpu.memory_space<hbm>> -> memref<256x128xf32, #tpu.memory_space<hbm>>
    %dma_wait3A_457 = arith.constant 0 : i32
    %dma_wait3A_458 = arith.constant 0 : i32
    %dma_wait3A_459 = tpu.memref_slice %arg6[%dma_wait3A_445, %dma_wait3A_457, %dma_wait3A_458] : memref<3x256x128xf32, #tpu.memory_space<vmem>> -> memref<1x256x128xf32, #tpu.memory_space<vmem>>
    %dma_wait3A_460 = tpu.memref_squeeze %dma_wait3A_459 : memref<1x256x128xf32, #tpu.memory_space<vmem>> -> memref<256x128xf32, #tpu.memory_space<vmem>>
    tpu.wait_dma2 semaphore(%dma_wait3A_454 : memref<!tpu.dma_semaphore, #tpu.memory_space<semaphore_mem>>) src(%dma_wait3A_460 : memref<256x128xf32, #tpu.memory_space<vmem>>) dst(%dma_wait3A_456 : memref<256x128xf32, #tpu.memory_space<hbm>>)
    %dma_start3A_461 = arith.constant 0 : i32
    %dma_start3A_462 = arith.constant 0 : i32
    %dma_start3A_463 = arith.constant 0 : i32
    %dma_start3A_464 = arith.constant 0 : i32
    %dma_start3A_465 = tpu.memref_slice %arg6[%dma_start3A_461, %dma_start3A_463, %dma_start3A_464] : memref<3x256x128xf32, #tpu.memory_space<vmem>> -> memref<1x256x128xf32, #tpu.memory_space<vmem>>
    %dma_start3A_466 = tpu.memref_squeeze %dma_start3A_465 : memref<1x256x128xf32, #tpu.memory_space<vmem>> -> memref<256x128xf32, #tpu.memory_space<vmem>>
    %dma_start3A_467 = arith.constant 2304 : i32
    %dma_start3A_468 = tpu.memref_slice %arg5[%dma_start3A_467] : memref<3328xi32, #tpu.memory_space<vmem>> -> memref<256xi32, #tpu.memory_space<vmem>>
    %dma_start3A_469 = arith.constant 0 : i32
    %dma_start3A_470 = arith.constant 0 : i32
    %dma_start3A_471 = tpu.memref_slice %arg2[%dma_start3A_469, %dma_start3A_470] : memref<100001x128xf32, #tpu.memory_space<hbm>> -> memref<100001x128xf32, #tpu.memory_space<hbm>>
    %dma_start3A_472 = tpu.memref_slice %arg7[%dma_start3A_462] : memref<3x!tpu.dma_semaphore, #tpu.memory_space<semaphore_mem>> -> memref<1x!tpu.dma_semaphore, #tpu.memory_space<semaphore_mem>>
    %dma_start3A_473 = tpu.memref_squeeze %dma_start3A_472 : memref<1x!tpu.dma_semaphore, #tpu.memory_space<semaphore_mem>> -> memref<!tpu.dma_semaphore, #tpu.memory_space<semaphore_mem>>
    tpu.enqueue_indirect_dma source(%dma_start3A_471 : memref<100001x128xf32, #tpu.memory_space<hbm>>) target(%dma_start3A_466 : memref<256x128xf32, #tpu.memory_space<vmem>>) offsets(%dma_start3A_468 : memref<256xi32, #tpu.memory_space<vmem>>) semaphore(%dma_start3A_473 : memref<!tpu.dma_semaphore, #tpu.memory_space<semaphore_mem>>)
    %dma_wait3A_474 = arith.constant 1 : i32
    %dma_wait3A_475 = arith.constant 1 : i32
    %dma_wait3A_476 = arith.constant 0 : i32
    %dma_wait3A_477 = arith.constant 0 : i32
    %dma_wait3A_478 = tpu.memref_slice %arg6[%dma_wait3A_474, %dma_wait3A_476, %dma_wait3A_477] : memref<3x256x128xf32, #tpu.memory_space<vmem>> -> memref<1x256x128xf32, #tpu.memory_space<vmem>>
    %dma_wait3A_479 = tpu.memref_squeeze %dma_wait3A_478 : memref<1x256x128xf32, #tpu.memory_space<vmem>> -> memref<256x128xf32, #tpu.memory_space<vmem>>
    %dma_wait3A_480 = arith.constant 1792 : i32
    %dma_wait3A_481 = tpu.memref_slice %arg5[%dma_wait3A_480] : memref<3328xi32, #tpu.memory_space<vmem>> -> memref<256xi32, #tpu.memory_space<vmem>>
    %dma_wait3A_482 = arith.constant 0 : i32
    %dma_wait3A_483 = arith.constant 0 : i32
    %dma_wait3A_484 = tpu.memref_slice %arg2[%dma_wait3A_482, %dma_wait3A_483] : memref<100001x128xf32, #tpu.memory_space<hbm>> -> memref<100001x128xf32, #tpu.memory_space<hbm>>
    %dma_wait3A_485 = tpu.memref_slice %arg7[%dma_wait3A_475] : memref<3x!tpu.dma_semaphore, #tpu.memory_space<semaphore_mem>> -> memref<1x!tpu.dma_semaphore, #tpu.memory_space<semaphore_mem>>
    %dma_wait3A_486 = tpu.memref_squeeze %dma_wait3A_485 : memref<1x!tpu.dma_semaphore, #tpu.memory_space<semaphore_mem>> -> memref<!tpu.dma_semaphore, #tpu.memory_space<semaphore_mem>>
    tpu.wait_indirect_dma semaphore(%dma_wait3A_486 : memref<!tpu.dma_semaphore, #tpu.memory_space<semaphore_mem>>) src(%dma_wait3A_484 : memref<100001x128xf32, #tpu.memory_space<hbm>>) dst(%dma_wait3A_479 : memref<256x128xf32, #tpu.memory_space<vmem>>)
    %add3A_487 = arith.constant 1792 : i32
    %add3A_488 = arith.addi %mul3A_2, %add3A_487 : i32
    %dma_start3A_489 = arith.constant 1 : i32
    %dma_start3A_490 = arith.constant 1 : i32
    %dma_start3A_491 = arith.constant 0 : i32
    %dma_start3A_492 = arith.constant 0 : i32
    %dma_start3A_493 = tpu.memref_slice %arg6[%dma_start3A_489, %dma_start3A_491, %dma_start3A_492] : memref<3x256x128xf32, #tpu.memory_space<vmem>> -> memref<1x256x128xf32, #tpu.memory_space<vmem>>
    %dma_start3A_494 = tpu.memref_squeeze %dma_start3A_493 : memref<1x256x128xf32, #tpu.memory_space<vmem>> -> memref<256x128xf32, #tpu.memory_space<vmem>>
    %dma_start3A_495 = arith.constant 0 : i32
    %dma_start3A_496 = tpu.memref_slice %arg4[%add3A_488, %dma_start3A_495] : memref<106496x128xf32, #tpu.memory_space<hbm>> -> memref<256x128xf32, #tpu.memory_space<hbm>>
    %dma_start3A_497 = tpu.memref_slice %arg8[%dma_start3A_490] : memref<3x!tpu.dma_semaphore, #tpu.memory_space<semaphore_mem>> -> memref<1x!tpu.dma_semaphore, #tpu.memory_space<semaphore_mem>>
    %dma_start3A_498 = tpu.memref_squeeze %dma_start3A_497 : memref<1x!tpu.dma_semaphore, #tpu.memory_space<semaphore_mem>> -> memref<!tpu.dma_semaphore, #tpu.memory_space<semaphore_mem>>
    %dma_start3A_499 = arith.constant 0 : i32
    %dma_start3A_500 = tpu.memref_slice %arg4[%add3A_488, %dma_start3A_499] : memref<106496x128xf32, #tpu.memory_space<hbm>> -> memref<256x128xf32, #tpu.memory_space<hbm>>
    %dma_start3A_501 = arith.constant 0 : i32
    %dma_start3A_502 = arith.constant 0 : i32
    %dma_start3A_503 = tpu.memref_slice %arg6[%dma_start3A_489, %dma_start3A_501, %dma_start3A_502] : memref<3x256x128xf32, #tpu.memory_space<vmem>> -> memref<1x256x128xf32, #tpu.memory_space<vmem>>
    %dma_start3A_504 = tpu.memref_squeeze %dma_start3A_503 : memref<1x256x128xf32, #tpu.memory_space<vmem>> -> memref<256x128xf32, #tpu.memory_space<vmem>>
    tpu.enqueue_dma source(%dma_start3A_504 : memref<256x128xf32, #tpu.memory_space<vmem>>) target(%dma_start3A_500 : memref<256x128xf32, #tpu.memory_space<hbm>>) target_semaphore(%dma_start3A_498 : memref<!tpu.dma_semaphore, #tpu.memory_space<semaphore_mem>>)
    %add3A_505 = arith.constant 1792 : i32
    %add3A_506 = arith.addi %mul3A_2, %add3A_505 : i32
    %dma_wait3A_507 = arith.constant 1 : i32
    %dma_wait3A_508 = arith.constant 1 : i32
    %dma_wait3A_509 = arith.constant 0 : i32
    %dma_wait3A_510 = arith.constant 0 : i32
    %dma_wait3A_511 = tpu.memref_slice %arg6[%dma_wait3A_507, %dma_wait3A_509, %dma_wait3A_510] : memref<3x256x128xf32, #tpu.memory_space<vmem>> -> memref<1x256x128xf32, #tpu.memory_space<vmem>>
    %dma_wait3A_512 = tpu.memref_squeeze %dma_wait3A_511 : memref<1x256x128xf32, #tpu.memory_space<vmem>> -> memref<256x128xf32, #tpu.memory_space<vmem>>
    %dma_wait3A_513 = arith.constant 0 : i32
    %dma_wait3A_514 = tpu.memref_slice %arg4[%add3A_506, %dma_wait3A_513] : memref<106496x128xf32, #tpu.memory_space<hbm>> -> memref<256x128xf32, #tpu.memory_space<hbm>>
    %dma_wait3A_515 = tpu.memref_slice %arg8[%dma_wait3A_508] : memref<3x!tpu.dma_semaphore, #tpu.memory_space<semaphore_mem>> -> memref<1x!tpu.dma_semaphore, #tpu.memory_space<semaphore_mem>>
    %dma_wait3A_516 = tpu.memref_squeeze %dma_wait3A_515 : memref<1x!tpu.dma_semaphore, #tpu.memory_space<semaphore_mem>> -> memref<!tpu.dma_semaphore, #tpu.memory_space<semaphore_mem>>
    %dma_wait3A_517 = arith.constant 0 : i32
    %dma_wait3A_518 = tpu.memref_slice %arg4[%add3A_506, %dma_wait3A_517] : memref<106496x128xf32, #tpu.memory_space<hbm>> -> memref<256x128xf32, #tpu.memory_space<hbm>>
    %dma_wait3A_519 = arith.constant 0 : i32
    %dma_wait3A_520 = arith.constant 0 : i32
    %dma_wait3A_521 = tpu.memref_slice %arg6[%dma_wait3A_507, %dma_wait3A_519, %dma_wait3A_520] : memref<3x256x128xf32, #tpu.memory_space<vmem>> -> memref<1x256x128xf32, #tpu.memory_space<vmem>>
    %dma_wait3A_522 = tpu.memref_squeeze %dma_wait3A_521 : memref<1x256x128xf32, #tpu.memory_space<vmem>> -> memref<256x128xf32, #tpu.memory_space<vmem>>
    tpu.wait_dma2 semaphore(%dma_wait3A_516 : memref<!tpu.dma_semaphore, #tpu.memory_space<semaphore_mem>>) src(%dma_wait3A_522 : memref<256x128xf32, #tpu.memory_space<vmem>>) dst(%dma_wait3A_518 : memref<256x128xf32, #tpu.memory_space<hbm>>)
    %dma_start3A_523 = arith.constant 1 : i32
    %dma_start3A_524 = arith.constant 1 : i32
    %dma_start3A_525 = arith.constant 0 : i32
    %dma_start3A_526 = arith.constant 0 : i32
    %dma_start3A_527 = tpu.memref_slice %arg6[%dma_start3A_523, %dma_start3A_525, %dma_start3A_526] : memref<3x256x128xf32, #tpu.memory_space<vmem>> -> memref<1x256x128xf32, #tpu.memory_space<vmem>>
    %dma_start3A_528 = tpu.memref_squeeze %dma_start3A_527 : memref<1x256x128xf32, #tpu.memory_space<vmem>> -> memref<256x128xf32, #tpu.memory_space<vmem>>
    %dma_start3A_529 = arith.constant 2560 : i32
    %dma_start3A_530 = tpu.memref_slice %arg5[%dma_start3A_529] : memref<3328xi32, #tpu.memory_space<vmem>> -> memref<256xi32, #tpu.memory_space<vmem>>
    %dma_start3A_531 = arith.constant 0 : i32
    %dma_start3A_532 = arith.constant 0 : i32
    %dma_start3A_533 = tpu.memref_slice %arg2[%dma_start3A_531, %dma_start3A_532] : memref<100001x128xf32, #tpu.memory_space<hbm>> -> memref<100001x128xf32, #tpu.memory_space<hbm>>
    %dma_start3A_534 = tpu.memref_slice %arg7[%dma_start3A_524] : memref<3x!tpu.dma_semaphore, #tpu.memory_space<semaphore_mem>> -> memref<1x!tpu.dma_semaphore, #tpu.memory_space<semaphore_mem>>
    %dma_start3A_535 = tpu.memref_squeeze %dma_start3A_534 : memref<1x!tpu.dma_semaphore, #tpu.memory_space<semaphore_mem>> -> memref<!tpu.dma_semaphore, #tpu.memory_space<semaphore_mem>>
    tpu.enqueue_indirect_dma source(%dma_start3A_533 : memref<100001x128xf32, #tpu.memory_space<hbm>>) target(%dma_start3A_528 : memref<256x128xf32, #tpu.memory_space<vmem>>) offsets(%dma_start3A_530 : memref<256xi32, #tpu.memory_space<vmem>>) semaphore(%dma_start3A_535 : memref<!tpu.dma_semaphore, #tpu.memory_space<semaphore_mem>>)
    %dma_wait3A_536 = arith.constant 2 : i32
    %dma_wait3A_537 = arith.constant 2 : i32
    %dma_wait3A_538 = arith.constant 0 : i32
    %dma_wait3A_539 = arith.constant 0 : i32
    %dma_wait3A_540 = tpu.memref_slice %arg6[%dma_wait3A_536, %dma_wait3A_538, %dma_wait3A_539] : memref<3x256x128xf32, #tpu.memory_space<vmem>> -> memref<1x256x128xf32, #tpu.memory_space<vmem>>
    %dma_wait3A_541 = tpu.memref_squeeze %dma_wait3A_540 : memref<1x256x128xf32, #tpu.memory_space<vmem>> -> memref<256x128xf32, #tpu.memory_space<vmem>>
    %dma_wait3A_542 = arith.constant 2048 : i32
    %dma_wait3A_543 = tpu.memref_slice %arg5[%dma_wait3A_542] : memref<3328xi32, #tpu.memory_space<vmem>> -> memref<256xi32, #tpu.memory_space<vmem>>
    %dma_wait3A_544 = arith.constant 0 : i32
    %dma_wait3A_545 = arith.constant 0 : i32
    %dma_wait3A_546 = tpu.memref_slice %arg2[%dma_wait3A_544, %dma_wait3A_545] : memref<100001x128xf32, #tpu.memory_space<hbm>> -> memref<100001x128xf32, #tpu.memory_space<hbm>>
    %dma_wait3A_547 = tpu.memref_slice %arg7[%dma_wait3A_537] : memref<3x!tpu.dma_semaphore, #tpu.memory_space<semaphore_mem>> -> memref<1x!tpu.dma_semaphore, #tpu.memory_space<semaphore_mem>>
    %dma_wait3A_548 = tpu.memref_squeeze %dma_wait3A_547 : memref<1x!tpu.dma_semaphore, #tpu.memory_space<semaphore_mem>> -> memref<!tpu.dma_semaphore, #tpu.memory_space<semaphore_mem>>
    tpu.wait_indirect_dma semaphore(%dma_wait3A_548 : memref<!tpu.dma_semaphore, #tpu.memory_space<semaphore_mem>>) src(%dma_wait3A_546 : memref<100001x128xf32, #tpu.memory_space<hbm>>) dst(%dma_wait3A_541 : memref<256x128xf32, #tpu.memory_space<vmem>>)
    %add3A_549 = arith.constant 2048 : i32
    %add3A_550 = arith.addi %mul3A_2, %add3A_549 : i32
    %dma_start3A_551 = arith.constant 2 : i32
    %dma_start3A_552 = arith.constant 2 : i32
    %dma_start3A_553 = arith.constant 0 : i32
    %dma_start3A_554 = arith.constant 0 : i32
    %dma_start3A_555 = tpu.memref_slice %arg6[%dma_start3A_551, %dma_start3A_553, %dma_start3A_554] : memref<3x256x128xf32, #tpu.memory_space<vmem>> -> memref<1x256x128xf32, #tpu.memory_space<vmem>>
    %dma_start3A_556 = tpu.memref_squeeze %dma_start3A_555 : memref<1x256x128xf32, #tpu.memory_space<vmem>> -> memref<256x128xf32, #tpu.memory_space<vmem>>
    %dma_start3A_557 = arith.constant 0 : i32
    %dma_start3A_558 = tpu.memref_slice %arg4[%add3A_550, %dma_start3A_557] : memref<106496x128xf32, #tpu.memory_space<hbm>> -> memref<256x128xf32, #tpu.memory_space<hbm>>
    %dma_start3A_559 = tpu.memref_slice %arg8[%dma_start3A_552] : memref<3x!tpu.dma_semaphore, #tpu.memory_space<semaphore_mem>> -> memref<1x!tpu.dma_semaphore, #tpu.memory_space<semaphore_mem>>
    %dma_start3A_560 = tpu.memref_squeeze %dma_start3A_559 : memref<1x!tpu.dma_semaphore, #tpu.memory_space<semaphore_mem>> -> memref<!tpu.dma_semaphore, #tpu.memory_space<semaphore_mem>>
    %dma_start3A_561 = arith.constant 0 : i32
    %dma_start3A_562 = tpu.memref_slice %arg4[%add3A_550, %dma_start3A_561] : memref<106496x128xf32, #tpu.memory_space<hbm>> -> memref<256x128xf32, #tpu.memory_space<hbm>>
    %dma_start3A_563 = arith.constant 0 : i32
    %dma_start3A_564 = arith.constant 0 : i32
    %dma_start3A_565 = tpu.memref_slice %arg6[%dma_start3A_551, %dma_start3A_563, %dma_start3A_564] : memref<3x256x128xf32, #tpu.memory_space<vmem>> -> memref<1x256x128xf32, #tpu.memory_space<vmem>>
    %dma_start3A_566 = tpu.memref_squeeze %dma_start3A_565 : memref<1x256x128xf32, #tpu.memory_space<vmem>> -> memref<256x128xf32, #tpu.memory_space<vmem>>
    tpu.enqueue_dma source(%dma_start3A_566 : memref<256x128xf32, #tpu.memory_space<vmem>>) target(%dma_start3A_562 : memref<256x128xf32, #tpu.memory_space<hbm>>) target_semaphore(%dma_start3A_560 : memref<!tpu.dma_semaphore, #tpu.memory_space<semaphore_mem>>)
    %add3A_567 = arith.constant 2048 : i32
    %add3A_568 = arith.addi %mul3A_2, %add3A_567 : i32
    %dma_wait3A_569 = arith.constant 2 : i32
    %dma_wait3A_570 = arith.constant 2 : i32
    %dma_wait3A_571 = arith.constant 0 : i32
    %dma_wait3A_572 = arith.constant 0 : i32
    %dma_wait3A_573 = tpu.memref_slice %arg6[%dma_wait3A_569, %dma_wait3A_571, %dma_wait3A_572] : memref<3x256x128xf32, #tpu.memory_space<vmem>> -> memref<1x256x128xf32, #tpu.memory_space<vmem>>
    %dma_wait3A_574 = tpu.memref_squeeze %dma_wait3A_573 : memref<1x256x128xf32, #tpu.memory_space<vmem>> -> memref<256x128xf32, #tpu.memory_space<vmem>>
    %dma_wait3A_575 = arith.constant 0 : i32
    %dma_wait3A_576 = tpu.memref_slice %arg4[%add3A_568, %dma_wait3A_575] : memref<106496x128xf32, #tpu.memory_space<hbm>> -> memref<256x128xf32, #tpu.memory_space<hbm>>
    %dma_wait3A_577 = tpu.memref_slice %arg8[%dma_wait3A_570] : memref<3x!tpu.dma_semaphore, #tpu.memory_space<semaphore_mem>> -> memref<1x!tpu.dma_semaphore, #tpu.memory_space<semaphore_mem>>
    %dma_wait3A_578 = tpu.memref_squeeze %dma_wait3A_577 : memref<1x!tpu.dma_semaphore, #tpu.memory_space<semaphore_mem>> -> memref<!tpu.dma_semaphore, #tpu.memory_space<semaphore_mem>>
    %dma_wait3A_579 = arith.constant 0 : i32
    %dma_wait3A_580 = tpu.memref_slice %arg4[%add3A_568, %dma_wait3A_579] : memref<106496x128xf32, #tpu.memory_space<hbm>> -> memref<256x128xf32, #tpu.memory_space<hbm>>
    %dma_wait3A_581 = arith.constant 0 : i32
    %dma_wait3A_582 = arith.constant 0 : i32
    %dma_wait3A_583 = tpu.memref_slice %arg6[%dma_wait3A_569, %dma_wait3A_581, %dma_wait3A_582] : memref<3x256x128xf32, #tpu.memory_space<vmem>> -> memref<1x256x128xf32, #tpu.memory_space<vmem>>
    %dma_wait3A_584 = tpu.memref_squeeze %dma_wait3A_583 : memref<1x256x128xf32, #tpu.memory_space<vmem>> -> memref<256x128xf32, #tpu.memory_space<vmem>>
    tpu.wait_dma2 semaphore(%dma_wait3A_578 : memref<!tpu.dma_semaphore, #tpu.memory_space<semaphore_mem>>) src(%dma_wait3A_584 : memref<256x128xf32, #tpu.memory_space<vmem>>) dst(%dma_wait3A_580 : memref<256x128xf32, #tpu.memory_space<hbm>>)
    %dma_start3A_585 = arith.constant 2 : i32
    %dma_start3A_586 = arith.constant 2 : i32
    %dma_start3A_587 = arith.constant 0 : i32
    %dma_start3A_588 = arith.constant 0 : i32
    %dma_start3A_589 = tpu.memref_slice %arg6[%dma_start3A_585, %dma_start3A_587, %dma_start3A_588] : memref<3x256x128xf32, #tpu.memory_space<vmem>> -> memref<1x256x128xf32, #tpu.memory_space<vmem>>
    %dma_start3A_590 = tpu.memref_squeeze %dma_start3A_589 : memref<1x256x128xf32, #tpu.memory_space<vmem>> -> memref<256x128xf32, #tpu.memory_space<vmem>>
    %dma_start3A_591 = arith.constant 2816 : i32
    %dma_start3A_592 = tpu.memref_slice %arg5[%dma_start3A_591] : memref<3328xi32, #tpu.memory_space<vmem>> -> memref<256xi32, #tpu.memory_space<vmem>>
    %dma_start3A_593 = arith.constant 0 : i32
    %dma_start3A_594 = arith.constant 0 : i32
    %dma_start3A_595 = tpu.memref_slice %arg2[%dma_start3A_593, %dma_start3A_594] : memref<100001x128xf32, #tpu.memory_space<hbm>> -> memref<100001x128xf32, #tpu.memory_space<hbm>>
    %dma_start3A_596 = tpu.memref_slice %arg7[%dma_start3A_586] : memref<3x!tpu.dma_semaphore, #tpu.memory_space<semaphore_mem>> -> memref<1x!tpu.dma_semaphore, #tpu.memory_space<semaphore_mem>>
    %dma_start3A_597 = tpu.memref_squeeze %dma_start3A_596 : memref<1x!tpu.dma_semaphore, #tpu.memory_space<semaphore_mem>> -> memref<!tpu.dma_semaphore, #tpu.memory_space<semaphore_mem>>
    tpu.enqueue_indirect_dma source(%dma_start3A_595 : memref<100001x128xf32, #tpu.memory_space<hbm>>) target(%dma_start3A_590 : memref<256x128xf32, #tpu.memory_space<vmem>>) offsets(%dma_start3A_592 : memref<256xi32, #tpu.memory_space<vmem>>) semaphore(%dma_start3A_597 : memref<!tpu.dma_semaphore, #tpu.memory_space<semaphore_mem>>)
    %dma_wait3A_598 = arith.constant 0 : i32
    %dma_wait3A_599 = arith.constant 0 : i32
    %dma_wait3A_600 = arith.constant 0 : i32
    %dma_wait3A_601 = arith.constant 0 : i32
    %dma_wait3A_602 = tpu.memref_slice %arg6[%dma_wait3A_598, %dma_wait3A_600, %dma_wait3A_601] : memref<3x256x128xf32, #tpu.memory_space<vmem>> -> memref<1x256x128xf32, #tpu.memory_space<vmem>>
    %dma_wait3A_603 = tpu.memref_squeeze %dma_wait3A_602 : memref<1x256x128xf32, #tpu.memory_space<vmem>> -> memref<256x128xf32, #tpu.memory_space<vmem>>
    %dma_wait3A_604 = arith.constant 2304 : i32
    %dma_wait3A_605 = tpu.memref_slice %arg5[%dma_wait3A_604] : memref<3328xi32, #tpu.memory_space<vmem>> -> memref<256xi32, #tpu.memory_space<vmem>>
    %dma_wait3A_606 = arith.constant 0 : i32
    %dma_wait3A_607 = arith.constant 0 : i32
    %dma_wait3A_608 = tpu.memref_slice %arg2[%dma_wait3A_606, %dma_wait3A_607] : memref<100001x128xf32, #tpu.memory_space<hbm>> -> memref<100001x128xf32, #tpu.memory_space<hbm>>
    %dma_wait3A_609 = tpu.memref_slice %arg7[%dma_wait3A_599] : memref<3x!tpu.dma_semaphore, #tpu.memory_space<semaphore_mem>> -> memref<1x!tpu.dma_semaphore, #tpu.memory_space<semaphore_mem>>
    %dma_wait3A_610 = tpu.memref_squeeze %dma_wait3A_609 : memref<1x!tpu.dma_semaphore, #tpu.memory_space<semaphore_mem>> -> memref<!tpu.dma_semaphore, #tpu.memory_space<semaphore_mem>>
    tpu.wait_indirect_dma semaphore(%dma_wait3A_610 : memref<!tpu.dma_semaphore, #tpu.memory_space<semaphore_mem>>) src(%dma_wait3A_608 : memref<100001x128xf32, #tpu.memory_space<hbm>>) dst(%dma_wait3A_603 : memref<256x128xf32, #tpu.memory_space<vmem>>)
    %add3A_611 = arith.constant 2304 : i32
    %add3A_612 = arith.addi %mul3A_2, %add3A_611 : i32
    %dma_start3A_613 = arith.constant 0 : i32
    %dma_start3A_614 = arith.constant 0 : i32
    %dma_start3A_615 = arith.constant 0 : i32
    %dma_start3A_616 = arith.constant 0 : i32
    %dma_start3A_617 = tpu.memref_slice %arg6[%dma_start3A_613, %dma_start3A_615, %dma_start3A_616] : memref<3x256x128xf32, #tpu.memory_space<vmem>> -> memref<1x256x128xf32, #tpu.memory_space<vmem>>
    %dma_start3A_618 = tpu.memref_squeeze %dma_start3A_617 : memref<1x256x128xf32, #tpu.memory_space<vmem>> -> memref<256x128xf32, #tpu.memory_space<vmem>>
    %dma_start3A_619 = arith.constant 0 : i32
    %dma_start3A_620 = tpu.memref_slice %arg4[%add3A_612, %dma_start3A_619] : memref<106496x128xf32, #tpu.memory_space<hbm>> -> memref<256x128xf32, #tpu.memory_space<hbm>>
    %dma_start3A_621 = tpu.memref_slice %arg8[%dma_start3A_614] : memref<3x!tpu.dma_semaphore, #tpu.memory_space<semaphore_mem>> -> memref<1x!tpu.dma_semaphore, #tpu.memory_space<semaphore_mem>>
    %dma_start3A_622 = tpu.memref_squeeze %dma_start3A_621 : memref<1x!tpu.dma_semaphore, #tpu.memory_space<semaphore_mem>> -> memref<!tpu.dma_semaphore, #tpu.memory_space<semaphore_mem>>
    %dma_start3A_623 = arith.constant 0 : i32
    %dma_start3A_624 = tpu.memref_slice %arg4[%add3A_612, %dma_start3A_623] : memref<106496x128xf32, #tpu.memory_space<hbm>> -> memref<256x128xf32, #tpu.memory_space<hbm>>
    %dma_start3A_625 = arith.constant 0 : i32
    %dma_start3A_626 = arith.constant 0 : i32
    %dma_start3A_627 = tpu.memref_slice %arg6[%dma_start3A_613, %dma_start3A_625, %dma_start3A_626] : memref<3x256x128xf32, #tpu.memory_space<vmem>> -> memref<1x256x128xf32, #tpu.memory_space<vmem>>
    %dma_start3A_628 = tpu.memref_squeeze %dma_start3A_627 : memref<1x256x128xf32, #tpu.memory_space<vmem>> -> memref<256x128xf32, #tpu.memory_space<vmem>>
    tpu.enqueue_dma source(%dma_start3A_628 : memref<256x128xf32, #tpu.memory_space<vmem>>) target(%dma_start3A_624 : memref<256x128xf32, #tpu.memory_space<hbm>>) target_semaphore(%dma_start3A_622 : memref<!tpu.dma_semaphore, #tpu.memory_space<semaphore_mem>>)
    %add3A_629 = arith.constant 2304 : i32
    %add3A_630 = arith.addi %mul3A_2, %add3A_629 : i32
    %dma_wait3A_631 = arith.constant 0 : i32
    %dma_wait3A_632 = arith.constant 0 : i32
    %dma_wait3A_633 = arith.constant 0 : i32
    %dma_wait3A_634 = arith.constant 0 : i32
    %dma_wait3A_635 = tpu.memref_slice %arg6[%dma_wait3A_631, %dma_wait3A_633, %dma_wait3A_634] : memref<3x256x128xf32, #tpu.memory_space<vmem>> -> memref<1x256x128xf32, #tpu.memory_space<vmem>>
    %dma_wait3A_636 = tpu.memref_squeeze %dma_wait3A_635 : memref<1x256x128xf32, #tpu.memory_space<vmem>> -> memref<256x128xf32, #tpu.memory_space<vmem>>
    %dma_wait3A_637 = arith.constant 0 : i32
    %dma_wait3A_638 = tpu.memref_slice %arg4[%add3A_630, %dma_wait3A_637] : memref<106496x128xf32, #tpu.memory_space<hbm>> -> memref<256x128xf32, #tpu.memory_space<hbm>>
    %dma_wait3A_639 = tpu.memref_slice %arg8[%dma_wait3A_632] : memref<3x!tpu.dma_semaphore, #tpu.memory_space<semaphore_mem>> -> memref<1x!tpu.dma_semaphore, #tpu.memory_space<semaphore_mem>>
    %dma_wait3A_640 = tpu.memref_squeeze %dma_wait3A_639 : memref<1x!tpu.dma_semaphore, #tpu.memory_space<semaphore_mem>> -> memref<!tpu.dma_semaphore, #tpu.memory_space<semaphore_mem>>
    %dma_wait3A_641 = arith.constant 0 : i32
    %dma_wait3A_642 = tpu.memref_slice %arg4[%add3A_630, %dma_wait3A_641] : memref<106496x128xf32, #tpu.memory_space<hbm>> -> memref<256x128xf32, #tpu.memory_space<hbm>>
    %dma_wait3A_643 = arith.constant 0 : i32
    %dma_wait3A_644 = arith.constant 0 : i32
    %dma_wait3A_645 = tpu.memref_slice %arg6[%dma_wait3A_631, %dma_wait3A_643, %dma_wait3A_644] : memref<3x256x128xf32, #tpu.memory_space<vmem>> -> memref<1x256x128xf32, #tpu.memory_space<vmem>>
    %dma_wait3A_646 = tpu.memref_squeeze %dma_wait3A_645 : memref<1x256x128xf32, #tpu.memory_space<vmem>> -> memref<256x128xf32, #tpu.memory_space<vmem>>
    tpu.wait_dma2 semaphore(%dma_wait3A_640 : memref<!tpu.dma_semaphore, #tpu.memory_space<semaphore_mem>>) src(%dma_wait3A_646 : memref<256x128xf32, #tpu.memory_space<vmem>>) dst(%dma_wait3A_642 : memref<256x128xf32, #tpu.memory_space<hbm>>)
    %dma_start3A_647 = arith.constant 0 : i32
    %dma_start3A_648 = arith.constant 0 : i32
    %dma_start3A_649 = arith.constant 0 : i32
    %dma_start3A_650 = arith.constant 0 : i32
    %dma_start3A_651 = tpu.memref_slice %arg6[%dma_start3A_647, %dma_start3A_649, %dma_start3A_650] : memref<3x256x128xf32, #tpu.memory_space<vmem>> -> memref<1x256x128xf32, #tpu.memory_space<vmem>>
    %dma_start3A_652 = tpu.memref_squeeze %dma_start3A_651 : memref<1x256x128xf32, #tpu.memory_space<vmem>> -> memref<256x128xf32, #tpu.memory_space<vmem>>
    %dma_start3A_653 = arith.constant 3072 : i32
    %dma_start3A_654 = tpu.memref_slice %arg5[%dma_start3A_653] : memref<3328xi32, #tpu.memory_space<vmem>> -> memref<256xi32, #tpu.memory_space<vmem>>
    %dma_start3A_655 = arith.constant 0 : i32
    %dma_start3A_656 = arith.constant 0 : i32
    %dma_start3A_657 = tpu.memref_slice %arg2[%dma_start3A_655, %dma_start3A_656] : memref<100001x128xf32, #tpu.memory_space<hbm>> -> memref<100001x128xf32, #tpu.memory_space<hbm>>
    %dma_start3A_658 = tpu.memref_slice %arg7[%dma_start3A_648] : memref<3x!tpu.dma_semaphore, #tpu.memory_space<semaphore_mem>> -> memref<1x!tpu.dma_semaphore, #tpu.memory_space<semaphore_mem>>
    %dma_start3A_659 = tpu.memref_squeeze %dma_start3A_658 : memref<1x!tpu.dma_semaphore, #tpu.memory_space<semaphore_mem>> -> memref<!tpu.dma_semaphore, #tpu.memory_space<semaphore_mem>>
    tpu.enqueue_indirect_dma source(%dma_start3A_657 : memref<100001x128xf32, #tpu.memory_space<hbm>>) target(%dma_start3A_652 : memref<256x128xf32, #tpu.memory_space<vmem>>) offsets(%dma_start3A_654 : memref<256xi32, #tpu.memory_space<vmem>>) semaphore(%dma_start3A_659 : memref<!tpu.dma_semaphore, #tpu.memory_space<semaphore_mem>>)
    %dma_wait3A_660 = arith.constant 1 : i32
    %dma_wait3A_661 = arith.constant 1 : i32
    %dma_wait3A_662 = arith.constant 0 : i32
    %dma_wait3A_663 = arith.constant 0 : i32
    %dma_wait3A_664 = tpu.memref_slice %arg6[%dma_wait3A_660, %dma_wait3A_662, %dma_wait3A_663] : memref<3x256x128xf32, #tpu.memory_space<vmem>> -> memref<1x256x128xf32, #tpu.memory_space<vmem>>
    %dma_wait3A_665 = tpu.memref_squeeze %dma_wait3A_664 : memref<1x256x128xf32, #tpu.memory_space<vmem>> -> memref<256x128xf32, #tpu.memory_space<vmem>>
    %dma_wait3A_666 = arith.constant 2560 : i32
    %dma_wait3A_667 = tpu.memref_slice %arg5[%dma_wait3A_666] : memref<3328xi32, #tpu.memory_space<vmem>> -> memref<256xi32, #tpu.memory_space<vmem>>
    %dma_wait3A_668 = arith.constant 0 : i32
    %dma_wait3A_669 = arith.constant 0 : i32
    %dma_wait3A_670 = tpu.memref_slice %arg2[%dma_wait3A_668, %dma_wait3A_669] : memref<100001x128xf32, #tpu.memory_space<hbm>> -> memref<100001x128xf32, #tpu.memory_space<hbm>>
    %dma_wait3A_671 = tpu.memref_slice %arg7[%dma_wait3A_661] : memref<3x!tpu.dma_semaphore, #tpu.memory_space<semaphore_mem>> -> memref<1x!tpu.dma_semaphore, #tpu.memory_space<semaphore_mem>>
    %dma_wait3A_672 = tpu.memref_squeeze %dma_wait3A_671 : memref<1x!tpu.dma_semaphore, #tpu.memory_space<semaphore_mem>> -> memref<!tpu.dma_semaphore, #tpu.memory_space<semaphore_mem>>
    tpu.wait_indirect_dma semaphore(%dma_wait3A_672 : memref<!tpu.dma_semaphore, #tpu.memory_space<semaphore_mem>>) src(%dma_wait3A_670 : memref<100001x128xf32, #tpu.memory_space<hbm>>) dst(%dma_wait3A_665 : memref<256x128xf32, #tpu.memory_space<vmem>>)
    %add3A_673 = arith.constant 2560 : i32
    %add3A_674 = arith.addi %mul3A_2, %add3A_673 : i32
    %dma_start3A_675 = arith.constant 1 : i32
    %dma_start3A_676 = arith.constant 1 : i32
    %dma_start3A_677 = arith.constant 0 : i32
    %dma_start3A_678 = arith.constant 0 : i32
    %dma_start3A_679 = tpu.memref_slice %arg6[%dma_start3A_675, %dma_start3A_677, %dma_start3A_678] : memref<3x256x128xf32, #tpu.memory_space<vmem>> -> memref<1x256x128xf32, #tpu.memory_space<vmem>>
    %dma_start3A_680 = tpu.memref_squeeze %dma_start3A_679 : memref<1x256x128xf32, #tpu.memory_space<vmem>> -> memref<256x128xf32, #tpu.memory_space<vmem>>
    %dma_start3A_681 = arith.constant 0 : i32
    %dma_start3A_682 = tpu.memref_slice %arg4[%add3A_674, %dma_start3A_681] : memref<106496x128xf32, #tpu.memory_space<hbm>> -> memref<256x128xf32, #tpu.memory_space<hbm>>
    %dma_start3A_683 = tpu.memref_slice %arg8[%dma_start3A_676] : memref<3x!tpu.dma_semaphore, #tpu.memory_space<semaphore_mem>> -> memref<1x!tpu.dma_semaphore, #tpu.memory_space<semaphore_mem>>
    %dma_start3A_684 = tpu.memref_squeeze %dma_start3A_683 : memref<1x!tpu.dma_semaphore, #tpu.memory_space<semaphore_mem>> -> memref<!tpu.dma_semaphore, #tpu.memory_space<semaphore_mem>>
    %dma_start3A_685 = arith.constant 0 : i32
    %dma_start3A_686 = tpu.memref_slice %arg4[%add3A_674, %dma_start3A_685] : memref<106496x128xf32, #tpu.memory_space<hbm>> -> memref<256x128xf32, #tpu.memory_space<hbm>>
    %dma_start3A_687 = arith.constant 0 : i32
    %dma_start3A_688 = arith.constant 0 : i32
    %dma_start3A_689 = tpu.memref_slice %arg6[%dma_start3A_675, %dma_start3A_687, %dma_start3A_688] : memref<3x256x128xf32, #tpu.memory_space<vmem>> -> memref<1x256x128xf32, #tpu.memory_space<vmem>>
    %dma_start3A_690 = tpu.memref_squeeze %dma_start3A_689 : memref<1x256x128xf32, #tpu.memory_space<vmem>> -> memref<256x128xf32, #tpu.memory_space<vmem>>
    tpu.enqueue_dma source(%dma_start3A_690 : memref<256x128xf32, #tpu.memory_space<vmem>>) target(%dma_start3A_686 : memref<256x128xf32, #tpu.memory_space<hbm>>) target_semaphore(%dma_start3A_684 : memref<!tpu.dma_semaphore, #tpu.memory_space<semaphore_mem>>)
    %dma_wait3A_691 = arith.constant 2 : i32
    %dma_wait3A_692 = arith.constant 2 : i32
    %dma_wait3A_693 = arith.constant 0 : i32
    %dma_wait3A_694 = arith.constant 0 : i32
    %dma_wait3A_695 = tpu.memref_slice %arg6[%dma_wait3A_691, %dma_wait3A_693, %dma_wait3A_694] : memref<3x256x128xf32, #tpu.memory_space<vmem>> -> memref<1x256x128xf32, #tpu.memory_space<vmem>>
    %dma_wait3A_696 = tpu.memref_squeeze %dma_wait3A_695 : memref<1x256x128xf32, #tpu.memory_space<vmem>> -> memref<256x128xf32, #tpu.memory_space<vmem>>
    %dma_wait3A_697 = arith.constant 2816 : i32
    %dma_wait3A_698 = tpu.memref_slice %arg5[%dma_wait3A_697] : memref<3328xi32, #tpu.memory_space<vmem>> -> memref<256xi32, #tpu.memory_space<vmem>>
    %dma_wait3A_699 = arith.constant 0 : i32
    %dma_wait3A_700 = arith.constant 0 : i32
    %dma_wait3A_701 = tpu.memref_slice %arg2[%dma_wait3A_699, %dma_wait3A_700] : memref<100001x128xf32, #tpu.memory_space<hbm>> -> memref<100001x128xf32, #tpu.memory_space<hbm>>
    %dma_wait3A_702 = tpu.memref_slice %arg7[%dma_wait3A_692] : memref<3x!tpu.dma_semaphore, #tpu.memory_space<semaphore_mem>> -> memref<1x!tpu.dma_semaphore, #tpu.memory_space<semaphore_mem>>
    %dma_wait3A_703 = tpu.memref_squeeze %dma_wait3A_702 : memref<1x!tpu.dma_semaphore, #tpu.memory_space<semaphore_mem>> -> memref<!tpu.dma_semaphore, #tpu.memory_space<semaphore_mem>>
    tpu.wait_indirect_dma semaphore(%dma_wait3A_703 : memref<!tpu.dma_semaphore, #tpu.memory_space<semaphore_mem>>) src(%dma_wait3A_701 : memref<100001x128xf32, #tpu.memory_space<hbm>>) dst(%dma_wait3A_696 : memref<256x128xf32, #tpu.memory_space<vmem>>)
    %add3A_704 = arith.constant 2816 : i32
    %add3A_705 = arith.addi %mul3A_2, %add3A_704 : i32
    %dma_start3A_706 = arith.constant 2 : i32
    %dma_start3A_707 = arith.constant 2 : i32
    %dma_start3A_708 = arith.constant 0 : i32
    %dma_start3A_709 = arith.constant 0 : i32
    %dma_start3A_710 = tpu.memref_slice %arg6[%dma_start3A_706, %dma_start3A_708, %dma_start3A_709] : memref<3x256x128xf32, #tpu.memory_space<vmem>> -> memref<1x256x128xf32, #tpu.memory_space<vmem>>
    %dma_start3A_711 = tpu.memref_squeeze %dma_start3A_710 : memref<1x256x128xf32, #tpu.memory_space<vmem>> -> memref<256x128xf32, #tpu.memory_space<vmem>>
    %dma_start3A_712 = arith.constant 0 : i32
    %dma_start3A_713 = tpu.memref_slice %arg4[%add3A_705, %dma_start3A_712] : memref<106496x128xf32, #tpu.memory_space<hbm>> -> memref<256x128xf32, #tpu.memory_space<hbm>>
    %dma_start3A_714 = tpu.memref_slice %arg8[%dma_start3A_707] : memref<3x!tpu.dma_semaphore, #tpu.memory_space<semaphore_mem>> -> memref<1x!tpu.dma_semaphore, #tpu.memory_space<semaphore_mem>>
    %dma_start3A_715 = tpu.memref_squeeze %dma_start3A_714 : memref<1x!tpu.dma_semaphore, #tpu.memory_space<semaphore_mem>> -> memref<!tpu.dma_semaphore, #tpu.memory_space<semaphore_mem>>
    %dma_start3A_716 = arith.constant 0 : i32
    %dma_start3A_717 = tpu.memref_slice %arg4[%add3A_705, %dma_start3A_716] : memref<106496x128xf32, #tpu.memory_space<hbm>> -> memref<256x128xf32, #tpu.memory_space<hbm>>
    %dma_start3A_718 = arith.constant 0 : i32
    %dma_start3A_719 = arith.constant 0 : i32
    %dma_start3A_720 = tpu.memref_slice %arg6[%dma_start3A_706, %dma_start3A_718, %dma_start3A_719] : memref<3x256x128xf32, #tpu.memory_space<vmem>> -> memref<1x256x128xf32, #tpu.memory_space<vmem>>
    %dma_start3A_721 = tpu.memref_squeeze %dma_start3A_720 : memref<1x256x128xf32, #tpu.memory_space<vmem>> -> memref<256x128xf32, #tpu.memory_space<vmem>>
    tpu.enqueue_dma source(%dma_start3A_721 : memref<256x128xf32, #tpu.memory_space<vmem>>) target(%dma_start3A_717 : memref<256x128xf32, #tpu.memory_space<hbm>>) target_semaphore(%dma_start3A_715 : memref<!tpu.dma_semaphore, #tpu.memory_space<semaphore_mem>>)
    %dma_wait3A_722 = arith.constant 0 : i32
    %dma_wait3A_723 = arith.constant 0 : i32
    %dma_wait3A_724 = arith.constant 0 : i32
    %dma_wait3A_725 = arith.constant 0 : i32
    %dma_wait3A_726 = tpu.memref_slice %arg6[%dma_wait3A_722, %dma_wait3A_724, %dma_wait3A_725] : memref<3x256x128xf32, #tpu.memory_space<vmem>> -> memref<1x256x128xf32, #tpu.memory_space<vmem>>
    %dma_wait3A_727 = tpu.memref_squeeze %dma_wait3A_726 : memref<1x256x128xf32, #tpu.memory_space<vmem>> -> memref<256x128xf32, #tpu.memory_space<vmem>>
    %dma_wait3A_728 = arith.constant 3072 : i32
    %dma_wait3A_729 = tpu.memref_slice %arg5[%dma_wait3A_728] : memref<3328xi32, #tpu.memory_space<vmem>> -> memref<256xi32, #tpu.memory_space<vmem>>
    %dma_wait3A_730 = arith.constant 0 : i32
    %dma_wait3A_731 = arith.constant 0 : i32
    %dma_wait3A_732 = tpu.memref_slice %arg2[%dma_wait3A_730, %dma_wait3A_731] : memref<100001x128xf32, #tpu.memory_space<hbm>> -> memref<100001x128xf32, #tpu.memory_space<hbm>>
    %dma_wait3A_733 = tpu.memref_slice %arg7[%dma_wait3A_723] : memref<3x!tpu.dma_semaphore, #tpu.memory_space<semaphore_mem>> -> memref<1x!tpu.dma_semaphore, #tpu.memory_space<semaphore_mem>>
    %dma_wait3A_734 = tpu.memref_squeeze %dma_wait3A_733 : memref<1x!tpu.dma_semaphore, #tpu.memory_space<semaphore_mem>> -> memref<!tpu.dma_semaphore, #tpu.memory_space<semaphore_mem>>
    tpu.wait_indirect_dma semaphore(%dma_wait3A_734 : memref<!tpu.dma_semaphore, #tpu.memory_space<semaphore_mem>>) src(%dma_wait3A_732 : memref<100001x128xf32, #tpu.memory_space<hbm>>) dst(%dma_wait3A_727 : memref<256x128xf32, #tpu.memory_space<vmem>>)
    %add3A_735 = arith.constant 3072 : i32
    %add3A_736 = arith.addi %mul3A_2, %add3A_735 : i32
    %dma_start3A_737 = arith.constant 0 : i32
    %dma_start3A_738 = arith.constant 0 : i32
    %dma_start3A_739 = arith.constant 0 : i32
    %dma_start3A_740 = arith.constant 0 : i32
    %dma_start3A_741 = tpu.memref_slice %arg6[%dma_start3A_737, %dma_start3A_739, %dma_start3A_740] : memref<3x256x128xf32, #tpu.memory_space<vmem>> -> memref<1x256x128xf32, #tpu.memory_space<vmem>>
    %dma_start3A_742 = tpu.memref_squeeze %dma_start3A_741 : memref<1x256x128xf32, #tpu.memory_space<vmem>> -> memref<256x128xf32, #tpu.memory_space<vmem>>
    %dma_start3A_743 = arith.constant 0 : i32
    %dma_start3A_744 = tpu.memref_slice %arg4[%add3A_736, %dma_start3A_743] : memref<106496x128xf32, #tpu.memory_space<hbm>> -> memref<256x128xf32, #tpu.memory_space<hbm>>
    %dma_start3A_745 = tpu.memref_slice %arg8[%dma_start3A_738] : memref<3x!tpu.dma_semaphore, #tpu.memory_space<semaphore_mem>> -> memref<1x!tpu.dma_semaphore, #tpu.memory_space<semaphore_mem>>
    %dma_start3A_746 = tpu.memref_squeeze %dma_start3A_745 : memref<1x!tpu.dma_semaphore, #tpu.memory_space<semaphore_mem>> -> memref<!tpu.dma_semaphore, #tpu.memory_space<semaphore_mem>>
    %dma_start3A_747 = arith.constant 0 : i32
    %dma_start3A_748 = tpu.memref_slice %arg4[%add3A_736, %dma_start3A_747] : memref<106496x128xf32, #tpu.memory_space<hbm>> -> memref<256x128xf32, #tpu.memory_space<hbm>>
    %dma_start3A_749 = arith.constant 0 : i32
    %dma_start3A_750 = arith.constant 0 : i32
    %dma_start3A_751 = tpu.memref_slice %arg6[%dma_start3A_737, %dma_start3A_749, %dma_start3A_750] : memref<3x256x128xf32, #tpu.memory_space<vmem>> -> memref<1x256x128xf32, #tpu.memory_space<vmem>>
    %dma_start3A_752 = tpu.memref_squeeze %dma_start3A_751 : memref<1x256x128xf32, #tpu.memory_space<vmem>> -> memref<256x128xf32, #tpu.memory_space<vmem>>
    tpu.enqueue_dma source(%dma_start3A_752 : memref<256x128xf32, #tpu.memory_space<vmem>>) target(%dma_start3A_748 : memref<256x128xf32, #tpu.memory_space<hbm>>) target_semaphore(%dma_start3A_746 : memref<!tpu.dma_semaphore, #tpu.memory_space<semaphore_mem>>)
    %add3A_753 = arith.constant 2560 : i32
    %add3A_754 = arith.addi %mul3A_2, %add3A_753 : i32
    %dma_wait3A_755 = arith.constant 1 : i32
    %dma_wait3A_756 = arith.constant 1 : i32
    %dma_wait3A_757 = arith.constant 0 : i32
    %dma_wait3A_758 = arith.constant 0 : i32
    %dma_wait3A_759 = tpu.memref_slice %arg6[%dma_wait3A_755, %dma_wait3A_757, %dma_wait3A_758] : memref<3x256x128xf32, #tpu.memory_space<vmem>> -> memref<1x256x128xf32, #tpu.memory_space<vmem>>
    %dma_wait3A_760 = tpu.memref_squeeze %dma_wait3A_759 : memref<1x256x128xf32, #tpu.memory_space<vmem>> -> memref<256x128xf32, #tpu.memory_space<vmem>>
    %dma_wait3A_761 = arith.constant 0 : i32
    %dma_wait3A_762 = tpu.memref_slice %arg4[%add3A_754, %dma_wait3A_761] : memref<106496x128xf32, #tpu.memory_space<hbm>> -> memref<256x128xf32, #tpu.memory_space<hbm>>
    %dma_wait3A_763 = tpu.memref_slice %arg8[%dma_wait3A_756] : memref<3x!tpu.dma_semaphore, #tpu.memory_space<semaphore_mem>> -> memref<1x!tpu.dma_semaphore, #tpu.memory_space<semaphore_mem>>
    %dma_wait3A_764 = tpu.memref_squeeze %dma_wait3A_763 : memref<1x!tpu.dma_semaphore, #tpu.memory_space<semaphore_mem>> -> memref<!tpu.dma_semaphore, #tpu.memory_space<semaphore_mem>>
    %dma_wait3A_765 = arith.constant 0 : i32
    %dma_wait3A_766 = tpu.memref_slice %arg4[%add3A_754, %dma_wait3A_765] : memref<106496x128xf32, #tpu.memory_space<hbm>> -> memref<256x128xf32, #tpu.memory_space<hbm>>
    %dma_wait3A_767 = arith.constant 0 : i32
    %dma_wait3A_768 = arith.constant 0 : i32
    %dma_wait3A_769 = tpu.memref_slice %arg6[%dma_wait3A_755, %dma_wait3A_767, %dma_wait3A_768] : memref<3x256x128xf32, #tpu.memory_space<vmem>> -> memref<1x256x128xf32, #tpu.memory_space<vmem>>
    %dma_wait3A_770 = tpu.memref_squeeze %dma_wait3A_769 : memref<1x256x128xf32, #tpu.memory_space<vmem>> -> memref<256x128xf32, #tpu.memory_space<vmem>>
    tpu.wait_dma2 semaphore(%dma_wait3A_764 : memref<!tpu.dma_semaphore, #tpu.memory_space<semaphore_mem>>) src(%dma_wait3A_770 : memref<256x128xf32, #tpu.memory_space<vmem>>) dst(%dma_wait3A_766 : memref<256x128xf32, #tpu.memory_space<hbm>>)
    %add3A_771 = arith.constant 2816 : i32
    %add3A_772 = arith.addi %mul3A_2, %add3A_771 : i32
    %dma_wait3A_773 = arith.constant 2 : i32
    %dma_wait3A_774 = arith.constant 2 : i32
    %dma_wait3A_775 = arith.constant 0 : i32
    %dma_wait3A_776 = arith.constant 0 : i32
    %dma_wait3A_777 = tpu.memref_slice %arg6[%dma_wait3A_773, %dma_wait3A_775, %dma_wait3A_776] : memref<3x256x128xf32, #tpu.memory_space<vmem>> -> memref<1x256x128xf32, #tpu.memory_space<vmem>>
    %dma_wait3A_778 = tpu.memref_squeeze %dma_wait3A_777 : memref<1x256x128xf32, #tpu.memory_space<vmem>> -> memref<256x128xf32, #tpu.memory_space<vmem>>
    %dma_wait3A_779 = arith.constant 0 : i32
    %dma_wait3A_780 = tpu.memref_slice %arg4[%add3A_772, %dma_wait3A_779] : memref<106496x128xf32, #tpu.memory_space<hbm>> -> memref<256x128xf32, #tpu.memory_space<hbm>>
    %dma_wait3A_781 = tpu.memref_slice %arg8[%dma_wait3A_774] : memref<3x!tpu.dma_semaphore, #tpu.memory_space<semaphore_mem>> -> memref<1x!tpu.dma_semaphore, #tpu.memory_space<semaphore_mem>>
    %dma_wait3A_782 = tpu.memref_squeeze %dma_wait3A_781 : memref<1x!tpu.dma_semaphore, #tpu.memory_space<semaphore_mem>> -> memref<!tpu.dma_semaphore, #tpu.memory_space<semaphore_mem>>
    %dma_wait3A_783 = arith.constant 0 : i32
    %dma_wait3A_784 = tpu.memref_slice %arg4[%add3A_772, %dma_wait3A_783] : memref<106496x128xf32, #tpu.memory_space<hbm>> -> memref<256x128xf32, #tpu.memory_space<hbm>>
    %dma_wait3A_785 = arith.constant 0 : i32
    %dma_wait3A_786 = arith.constant 0 : i32
    %dma_wait3A_787 = tpu.memref_slice %arg6[%dma_wait3A_773, %dma_wait3A_785, %dma_wait3A_786] : memref<3x256x128xf32, #tpu.memory_space<vmem>> -> memref<1x256x128xf32, #tpu.memory_space<vmem>>
    %dma_wait3A_788 = tpu.memref_squeeze %dma_wait3A_787 : memref<1x256x128xf32, #tpu.memory_space<vmem>> -> memref<256x128xf32, #tpu.memory_space<vmem>>
    tpu.wait_dma2 semaphore(%dma_wait3A_782 : memref<!tpu.dma_semaphore, #tpu.memory_space<semaphore_mem>>) src(%dma_wait3A_788 : memref<256x128xf32, #tpu.memory_space<vmem>>) dst(%dma_wait3A_784 : memref<256x128xf32, #tpu.memory_space<hbm>>)
    %add3A_789 = arith.constant 3072 : i32
    %add3A_790 = arith.addi %mul3A_2, %add3A_789 : i32
    %dma_wait3A_791 = arith.constant 0 : i32
    %dma_wait3A_792 = arith.constant 0 : i32
    %dma_wait3A_793 = arith.constant 0 : i32
    %dma_wait3A_794 = arith.constant 0 : i32
    %dma_wait3A_795 = tpu.memref_slice %arg6[%dma_wait3A_791, %dma_wait3A_793, %dma_wait3A_794] : memref<3x256x128xf32, #tpu.memory_space<vmem>> -> memref<1x256x128xf32, #tpu.memory_space<vmem>>
    %dma_wait3A_796 = tpu.memref_squeeze %dma_wait3A_795 : memref<1x256x128xf32, #tpu.memory_space<vmem>> -> memref<256x128xf32, #tpu.memory_space<vmem>>
    %dma_wait3A_797 = arith.constant 0 : i32
    %dma_wait3A_798 = tpu.memref_slice %arg4[%add3A_790, %dma_wait3A_797] : memref<106496x128xf32, #tpu.memory_space<hbm>> -> memref<256x128xf32, #tpu.memory_space<hbm>>
    %dma_wait3A_799 = tpu.memref_slice %arg8[%dma_wait3A_792] : memref<3x!tpu.dma_semaphore, #tpu.memory_space<semaphore_mem>> -> memref<1x!tpu.dma_semaphore, #tpu.memory_space<semaphore_mem>>
    %dma_wait3A_800 = tpu.memref_squeeze %dma_wait3A_799 : memref<1x!tpu.dma_semaphore, #tpu.memory_space<semaphore_mem>> -> memref<!tpu.dma_semaphore, #tpu.memory_space<semaphore_mem>>
    %dma_wait3A_801 = arith.constant 0 : i32
    %dma_wait3A_802 = tpu.memref_slice %arg4[%add3A_790, %dma_wait3A_801] : memref<106496x128xf32, #tpu.memory_space<hbm>> -> memref<256x128xf32, #tpu.memory_space<hbm>>
    %dma_wait3A_803 = arith.constant 0 : i32
    %dma_wait3A_804 = arith.constant 0 : i32
    %dma_wait3A_805 = tpu.memref_slice %arg6[%dma_wait3A_791, %dma_wait3A_803, %dma_wait3A_804] : memref<3x256x128xf32, #tpu.memory_space<vmem>> -> memref<1x256x128xf32, #tpu.memory_space<vmem>>
    %dma_wait3A_806 = tpu.memref_squeeze %dma_wait3A_805 : memref<1x256x128xf32, #tpu.memory_space<vmem>> -> memref<256x128xf32, #tpu.memory_space<vmem>>
    tpu.wait_dma2 semaphore(%dma_wait3A_800 : memref<!tpu.dma_semaphore, #tpu.memory_space<semaphore_mem>>) src(%dma_wait3A_806 : memref<256x128xf32, #tpu.memory_space<vmem>>) dst(%dma_wait3A_802 : memref<256x128xf32, #tpu.memory_space<hbm>>)
    return
  }
}

</mosaic_0001>

<sc_bundles>
// kernel: kernel.3.cloned.1.call-start
scs
__scs_entry_jumppad:
0x0: {  	(pc) =	sbr.rel $0x88, $3  }
0x1: {  	(tag) =	ssettag $0x0;
	lr =	simm.s32 $0x1  }
0x2: {  	[smem:$0x3F9F] =	sst lr;
	_ =	strace $0xD0000000  }
0x3: {  	_ = 	snop  }
0x4: {  	_ = 	snop  }
0x5: {  	_ = 	snop  }
0x6: {  	_ = 	snop  }
0x7: {  	_ = 	snop  }
__scs_overlays_trampoline_lowered:
0x8: {  	[smem:$0x3FAE] =	sst s0  }
0x9: {  	[smem:$0x3FAF] =	sst s1  }
0xa: {  	[smem:$0x3FB0] =	sst s2  }
0xb: {  	[smem:$0x3FB1] =	sst s3  }
0xc: {  	[smem:$0x3FB2] =	sst s4  }
0xd: {  	[smem:$0x3FB3] =	sst s5  }
0xe: {  	[smem:$0x3FB4] =	sst s6  }
0xf: {  	[smem:$0x3FB5] =	sst s7  }
0x10: {  	[smem:$0x3FB6] =	sst s8  }
0x11: {  	[smem:$0x3FB7] =	sst s9;
	s0 =	simm.s32 @!p0 $0x0  }
0x12: {  	s1 =	sld [smem:$0x3F9D];
	s0 =	simm.s32 @p0 $0x1  }
0x13: {  	[smem:$0x3FB8] =	sst s0;
	s0 =	simm.s32 @!p1 $0x0  }
0x14: {  	s2 =	sld [smem:$0x3F9C];
	s0 =	simm.s32 @p1 $0x1  }
0x15: {  	[smem:$0x3FB9] =	sst s0;
	s0 =	simm.s32 @!p2 $0x0  }
0x16: {  	s3 =	sld [smem:$0x3FDB];
	s0 =	simm.s32 @p2 $0x1  }
0x17: {  	s4 =	simm.s32 $0x1BF5;
	[smem:$0x3FBB] =	sst s0  }
0x18: {  	s0 =	sld [smem:$0x3F9E];
	_ =	swait.ge [sflag:s4], $0x0  }
0x19: {  	s7 =	sld [smem:$0x3F9F]  }
0x1a: {  	s8 =	sadd.s32 $0xFFFFE003, lr  }
0x1b: {  	s9 =	sadd.s32 $0xFFFFFEF7, lr;
	s5 =	simm.s32 $0xFFFFFFFF;
	p2 =	slt.u32 s8, $0xFFFFF086  }
0x1c: {  	p1 =	slt.u32 s9, $0xF7A;
	s5 =	simm.s32 @!p2 $0x0  }
0x1d: {  	s5 =	simm.s32 @p1 $0x1;
	p0 =	seq.s32 s7, s2  }
0x1e: {  	s7 =	smul.u32 @!p0 $0xF7A, s2;
	p2 =	seq.s32 @!p0 s5, $0x0  }
0x1f: {  	s9 =	smul.u32 $0xF7A, s1;
	s8 =	simm.s32 @!p0 $0x1BF5;
	p2 =	por !p2, p0  }
0x20: {  	[sflag:s8] =	ssyncset.s32 @!p0 $0xFFFFF086;
	s6 =	sadd.s32 @!p0 s3, s7;
	s7 =	simm.s32 @!p0 $0x108  }
0x21: {  	s3 =	sadd.s32 s3, s9;
	s6 =	sadd.s32 @!p0 $0x88, s6;
	s7 =	simm.s32 @p2 $0x1082  }
0x22: {  	[simem:s7], [sflag:s8] =	dma.local @!p0 [hbm:s6], $0xF7A  }
0x23: {  	s9 =	sor.u32 $0xD0000000, s2;
	s6 =	simm.s32 $0x108;
	_ =	swait.ge @!p0 [sflag:s8], $0x0  }
0x24: {  	s3 =	sadd.s32 $0x88, s3;
	s6 =	simm.s32 @!p1 $0x1082;
	[sflag:s4] =	ssyncset.s32 $0xFFFFF086  }
0x25: {  	[simem:s6], [sflag:s4] =	dma.local [hbm:s3], $0xF7A  }
0x26: {  	[smem:$0x3F9F] =	sst s1;
	(tag) =	ssettag s2;
	_ =	strace s9  }
0x27: {  	s1 =	sld [smem:$0x3FAF]  }
0x28: {  	s2 =	sld [smem:$0x3FB0]  }
0x29: {  	s4 =	sld [smem:$0x3FB2]  }
0x2a: {  	p0 =	seq.s32 s5, $0x0;
	s5 =	sld [smem:$0x3FB3]  }
0x2b: {  	s6 =	sld [smem:$0x3FB4]  }
0x2c: {  	s7 =	sld [smem:$0x3FB5]  }
0x2d: {  	s3 =	simm.s32 $0x108;
	s8 =	sld [smem:$0x3FB6]  }
0x2e: {  	s3 =	simm.s32 @!p0 $0x1082;
	s9 =	sld [smem:$0x3FB7]  }
0x2f: {  	lr =	sadd.s32 s0, s3;
	s0 =	sld [smem:$0x3FAE]  }
0x30: {  	s3 =	sld [smem:$0x3FB1]  }
0x31: {  	[smem:$0x3FBA] =	sst s10  }
0x32: {  	s10 =	sld [smem:$0x3FB8];
	_ =	sdelay $0x3  }
0x33: {  	p0 =	seq.s32 s10, $0x1;
	s10 =	sld [smem:$0x3FBA];
	_ =	sdelay $0x3  }
0x34: {  	[smem:$0x3FBA] =	sst s10  }
0x35: {  	s10 =	sld [smem:$0x3FB9];
	_ =	sdelay $0x3  }
0x36: {  	p1 =	seq.s32 s10, $0x1;
	s10 =	sld [smem:$0x3FBA];
	_ =	sdelay $0x3  }
0x37: {  	[smem:$0x3FBA] =	sst s10  }
0x38: {  	s10 =	sld [smem:$0x3FBB]  }
0x39: {  	_ = 	snop;
	(pc) =	sbr.ind lr, $3  }
0x3a: {  	_ = 	snop  }
0x3b: {  	_ = 	snop  }
0x3c: {  	p2 =	seq.s32 s10, $0x1;
	s10 =	sld [smem:$0x3FBA]  }
0x3d: {  	_ =	shalt  }
0x3e: {  	_ =	shalt  }
0x3f: {  	_ =	shalt  }
0x40: {  	_ =	shalt  }
0x41: {  	_ =	shalt  }
0x42: {  	_ =	shalt  }
0x43: {  	_ =	shalt  }
0x44: {  	_ =	shalt  }
0x45: {  	_ =	shalt  }
0x46: {  	_ =	shalt  }
0x47: {  	_ =	shalt  }
0x48: {  	_ =	shalt  }
0x49: {  	_ =	shalt  }
0x4a: {  	_ =	shalt  }
0x4b: {  	_ =	shalt  }
0x4c: {  	_ =	shalt  }
0x4d: {  	_ =	shalt  }
0x4e: {  	_ =	shalt  }
0x4f: {  	_ =	shalt  }
0x50: {  	_ =	shalt  }
0x51: {  	_ =	shalt  }
0x52: {  	_ =	shalt  }
0x53: {  	_ =	shalt  }
0x54: {  	_ =	shalt  }
0x55: {  	_ =	shalt  }
0x56: {  	_ =	shalt  }
0x57: {  	_ =	shalt  }
0x58: {  	_ =	shalt  }
0x59: {  	_ =	shalt  }
0x5a: {  	_ =	shalt  }
0x5b: {  	_ =	shalt  }
0x5c: {  	_ =	shalt  }
0x5d: {  	_ =	shalt  }
0x5e: {  	_ =	shalt  }
0x5f: {  	_ =	shalt  }
0x60: {  	_ =	shalt  }
0x61: {  	_ =	shalt  }
0x62: {  	_ =	shalt  }
0x63: {  	_ =	shalt  }
0x64: {  	_ =	shalt  }
0x65: {  	_ =	shalt  }
0x66: {  	_ =	shalt  }
0x67: {  	_ =	shalt  }
0x68: {  	_ =	shalt  }
0x69: {  	_ =	shalt  }
0x6a: {  	_ =	shalt  }
0x6b: {  	_ =	shalt  }
0x6c: {  	_ =	shalt  }
0x6d: {  	_ =	shalt  }
0x6e: {  	_ =	shalt  }
0x6f: {  	_ =	shalt  }
0x70: {  	_ =	shalt  }
0x71: {  	_ =	shalt  }
0x72: {  	_ =	shalt  }
0x73: {  	_ =	shalt  }
0x74: {  	_ =	shalt  }
0x75: {  	_ =	shalt  }
0x76: {  	_ =	shalt  }
0x77: {  	_ =	shalt  }
0x78: {  	_ =	shalt  }
0x79: {  	_ =	shalt  }
0x7a: {  	_ =	shalt  }
0x7b: {  	_ =	shalt  }
0x7c: {  	_ =	shalt  }
0x7d: {  	_ =	shalt  }
0x7e: {  	_ =	shalt  }
0x7f: {  	_ =	shalt  }
0x80: {  	_ =	shalt  }
0x81: {  	_ =	shalt  }
0x82: {  	_ =	shalt  }
0x83: {  	_ =	shalt  }
0x84: {  	_ =	shalt  }
0x85: {  	_ =	shalt  }
0x86: {  	_ =	shalt  }
0x87: {  	_ =	shalt  }
.Lfunc_end0:
.L_simem_size_0:
called_computation_lowered:
.L_overlay_start_0:
0x88: {  	s2 =	sld [smem:$0x3FD9]  }
0x89: {  	s3 =	sld [smem:$0x3FFE];
	_ =	sdelay $0x1  }
0x8a: {  	s1 =	srdreg.scid  }
0x8b: {  	s0 =	sand.u32 $0x1, s1  }
0x8c: {  	s17 =	sshll.u32 s0, $0xA;
	s2 =	sadd.s32 s3, s2  }
0x8d: {  	s2 =	sadd.s32 s2, s17  }
0x8e: {  	[smem:$0x3FC6] =	sst s2  }
0x8f: {  	_ = 	snop  }
0x90: {  	s2 =	sld [smem:$0x3FC8]  }
0x91: {  	s18 =	sld [smem:$0x3FD0];
	(tm) =	ssettm $0x1  }
0x92: {  	s4 =	sld [smem:$0x3FFB];
	_ =	sdelay $0x3  }
0x93: {  	_ =	strace s4  }
0x94: {  	s4 =	sld [smem:$0x3FFC];
	_ =	sdelay $0x3  }
0x95: {  	_ =	strace s4  }
0x96: {  	s4 =	sld [smem:$0x3FFD];
	_ =	sdelay $0x3  }
0x97: {  	_ =	strace s4  }
0x98: {  	_ =	strace $0x8FFFFFFF  }
0x99: {  	s19 =	sld [smem:$0x3FDB];
	_ =	sdelay $0x1  }
0x9a: {  	s5 =	simm.s32 $_scs_section_size  }
0x9b: {  	s6 =	simm.s32 $_size__tile_overlayer_lowered;
	s7 =	simm.s32 $_tile_overlayer_lowered  }
0x9c: {  	s22 =	simm.s32 $0x1BFF;
	s21 =	sshll.u32 s7, $0x1;
	s4 =	sadd.s32 s5, s19  }
0x9d: {  	s8 =	simm.s32 $0x0;
	s20 =	sshll.u32 s6, $0x1;
	s6 =	sadd.s32 s21, s4  }
0x9e: {  	[timem:s8], [sflag:s22] =	dma.local [hbm:s6], s20  }
0x9f: {  	_ =	swait.ge [sflag:s22], s20  }
0xa0: {  	s5 =	ssub.s32 $0x0, s20;
	[sflag:s22] =	ssyncset.done $0x0  }
0xa1: {  	[sflag:s22] =	ssyncadd.s32 s5;
	_ =	sdelay $0x1  }
0xa2: {  	s23 =	simm.s32 $0x1B8B  }
0xa3: {  	_ =	swait.ge [sflag:s23], $0x1  }
0xa4: {  	[sflag:s23] =	ssyncset.done $0x0  }
0xa5: {  	s25 =	simm.s32 $0x1B8E;
	s24 =	sld [smem:$0x3FFE];
	[sflag:s23] =	ssyncadd.s32 $0xFFFFFFFF  }
0xa6: {  	s26 =	simm.s32 $execute0_lowered;
	[smem:$0x3FD2] =	sst s25  }
0xa7: {  	s6 =	sshll.u32 s26, $0x1;
	_ =	strace $0x80000046;
	[dreg:$0x1] =	wrdreg $0xFFFFFFFF  }
0xa8: {  	s28 =	simm.s32 $_size_execute0_lowered;
	s4 =	sadd.s32 s4, s6;
	[dreg:$0x0] =	wrdreg $0x0  }
0xa9: {  	s6 =	sshll.u32 s28, $0x1;
	[dreg:$0x2] =	wrdreg s4  }
0xaa: {  	[dreg:$0x3] =	wrdreg s6  }
0xab: {  	[dreg:$0x4] =	wrdreg $0xC0  }
0xac: {  	_ =	task [dreg:s8], $0x5FFFF  }
0xad: {  	[dreg:$0x1] =	wrdreg $0xFFFFFFFF  }
0xae: {  	[dreg:$0x0] =	wrdreg $0x60  }
0xaf: {  	[dreg:$0x2] =	wrdreg s2  }
0xb0: {  	[dreg:$0x3] =	wrdreg s24  }
0xb1: {  	[dreg:$0x4] =	wrdreg s18  }
0xb2: {  	[dreg:$0x5] =	wrdreg $0x9  }
0xb3: {  	_ =	task.clear_ibuf [dreg:s8], $0x6FFFF;
	_ =	strace $0x90000046  }
0xb4: {  	s29 =	simm.s32 $0x9;
	_ =	strace $0x80000048  }
0xb5: {  	_ =	swait.ge [sflag:s29], $0x1  }
0xb6: {  	[sflag:s29] =	ssyncadd.s32 $0xFFFFFFFF  }
0xb7: {  	_ =	strace $0x90000048  }
0xb8: {  	_ =	sfence  }
0xb9: {  	s30 =	sld [smem:$0x0];
	_ =	sdelay $0x2  }
0xba: {  	s31 =	sshll.u32 s1, $0xD;
	s1 =	sshrl.u32 s1, $0x2  }
0xbb: {  	s3 =	sand.u32 $0x4000, s31;
	s1 =	sadd.s32 s1, s30  }
0xbc: {  	s0 =	sor.u32 s3, s0;
	s1 =	sshll.u32 s1, $0x11  }
0xbd: {  	s0 =	sor.u32 s1, s0  }
0xbe: {  	s0 =	sadd.s32 $0x8F2B, s0  }
0xbf: {  	[sflag:s0] =	ssyncadd.remote.s32 $0x1  }
0xc0: {  	_ =	sfence.sel $0xFFFF  }
0xc1: {  	[dreg:$0x0] =	wrdreg $0xFFFFFFFF;
	(pc) =	sbr.abs _section_cstart, $3  }
0xc2: {  	[dreg:$0x1] =	wrdreg $0xFFFFFFFF  }
0xc3: {  	_ =	task.clear_ibuf [dreg:s8], $0x2FFFF;
	_ =	strace $0x9FFFFFFF  }
0xc4: {  	(tm) =	ssettm $0x7FFFFFFF  }
0xc5: {  	_ =	shalt  }
tec
execute0_lowered:
.L_overlay_start_1:
0x0: {  	(tag) =	ssettag $0x1  }
0x1: {  	s1 =	srdreg.scid;
	s0 =	stileid.u32  }
0x2: {  	s1 =	sand.u32 $0x1, s1;
	s3 =	sshll.u32 s0, $0x1  }
0x3: {  	s5 =	sor.u32 s1, s3  }
0x4: {  	s2 =	rddreg [dreg:$0x0];
	s7 =	smul.u32 $0x1A0, s5  }
0x5: {  	s4 =	rddreg [dreg:$0x1];
	s3 =	simm.s32 $0x0;
	s8 =	smul.u32 $0x68000, s5  }
0x6: {  	[smem:$0x7FF] =	sst s3;
	s5 =	smul.u32 $0xD000, s5  }
0x7: {  	s6 =	rddreg [dreg:$0x2];
	_ =	strace $0x80000047  }
0x8: {  	s4 =	sadd.s32 s7, s4;
	s17 =	sshrl.u32 s8, $0x3;
	s18 =	sadd.s32 s6, s5  }
0x9: {  	s4 =	sadd.s32 $0x400, s4;
	s31 =	sadd.s32 s6, s17;
	[dreg:$0x5] =	wrdreg s18  }
0xa: {  	[dreg:$0x4] =	wrdreg s4;
	s19 =	sadd.s32 $0x1000, s31  }
0xb: {  	s20 =	sadd.s32 $0x2000, s31;
	[dreg:$0x6] =	wrdreg s19  }
0xc: {  	s21 =	sadd.s32 $0x3000, s31;
	[dreg:$0x7] =	wrdreg s20  }
0xd: {  	s22 =	sadd.s32 $0x4000, s31;
	[dreg:$0x8] =	wrdreg s21  }
0xe: {  	s23 =	sadd.s32 $0x5000, s31;
	[dreg:$0x9] =	wrdreg s22  }
0xf: {  	[dreg:$0xa] =	wrdreg s23  }
0x10: {  	s24 =	sadd.s32 $0x6000, s31;
	s25 =	rddreg [dreg:$0x4]  }
0x11: {  	s26 =	sadd.s32 $0x7000, s31;
	[dreg:$0xb] =	wrdreg s24  }
0x12: {  	s4 =	simm.s32 $0x7;
	[dreg:$0xc] =	wrdreg s26  }
0x13: {  	[tilespmem:s3], [sflag:$0x7] =	stream.linear.gather [hbm4b:s25+s3], $0xD00, $0x38;
	[tilespmem:$0x18D00] =	vst v63  }
0x14: {  	_ =	swait.ge [sflag:s4], $0xD00  }
0x15: {  	[sflag:s4] =	ssyncset.done $0x0  }
0x16: {  	s5 =	simm.s32 $0x100;
	s6 =	simm.s32 $0xD00;
	[sflag:s4] =	ssyncadd.s32 $0xFFFFF300  }
0x17: {  	[tilespmem:s6], [sflag:$0x1] =	stream.indirect.gather [hbm4b:s2+s5], $0x80, s3, s5, $0xb8;
	[tilespmem:$0x18D00] =	vst v63  }
0x18: {  	s7 =	simm.s32 $0x8D00  }
0x19: {  	[tilespmem:s7], [sflag:$0x2] =	stream.indirect.gather [hbm4b:s2+s5], $0x80, s5, s5, $0xb8;
	[tilespmem:$0x18D00] =	vst v63  }
0x1a: {  	s9 =	simm.s32 $0x10D00;
	s10 =	simm.s32 $0x1;
	s8 =	simm.s32 $0x200  }
0x1b: {  	[tilespmem:s9], [sflag:$0x3] =	stream.indirect.gather [hbm4b:s2+s5], $0x80, s8, s5, $0xb8;
	[tilespmem:$0x18D00] =	vst v63  }
0x1c: {  	_ =	swait.ge [sflag:s10], $0x8000  }
0x1d: {  	[sflag:s10] =	ssyncset.done $0x0  }
0x1e: {  	s11 =	simm.s32 $0x4;
	s12 =	rddreg [dreg:$0x5];
	[sflag:s10] =	ssyncadd.s32 $0xFFFF8000  }
0x1f: {  	[hbm4b:s12+s3] =	stream.linear.scatter [tilespmem:s6], [sflag:$0x4], $0x8000, $0x38;
	[tilespmem:$0x18D00] =	vst v63  }
0x20: {  	_ =	swait.ge [sflag:s11], $0x8000  }
0x21: {  	[sflag:s11] =	ssyncset.done $0x0  }
0x22: {  	s13 =	simm.s32 $0x2;
	s12 =	simm.s32 $0x300;
	[sflag:s11] =	ssyncadd.s32 $0xFFFF8000  }
0x23: {  	[tilespmem:s6], [sflag:$0x1] =	stream.indirect.gather [hbm4b:s2+s5], $0x80, s12, s5, $0xb8;
	[tilespmem:$0x18D00] =	vst v63  }
0x24: {  	_ =	swait.ge [sflag:s13], $0x8000  }
0x25: {  	[sflag:s13] =	ssyncset.done $0x0  }
0x26: {  	s14 =	simm.s32 $0x5;
	s15 =	rddreg [dreg:$0x6];
	[sflag:s13] =	ssyncadd.s32 $0xFFFF8000  }
0x27: {  	[hbm4b:s15+s3] =	stream.linear.scatter [tilespmem:s7], [sflag:$0x5], $0x8000, $0x38;
	[tilespmem:$0x18D00] =	vst v63  }
0x28: {  	_ =	swait.ge [sflag:s14], $0x8000  }
0x29: {  	[sflag:s14] =	ssyncset.done $0x0  }
0x2a: {  	s16 =	simm.s32 $0x3;
	s15 =	simm.s32 $0x400;
	[sflag:s14] =	ssyncadd.s32 $0xFFFF8000  }
0x2b: {  	[tilespmem:s7], [sflag:$0x2] =	stream.indirect.gather [hbm4b:s2+s5], $0x80, s15, s5, $0xb8;
	[tilespmem:$0x18D00] =	vst v63  }
0x2c: {  	_ =	swait.ge [sflag:s16], $0x8000  }
0x2d: {  	[sflag:s16] =	ssyncset.done $0x0  }
0x2e: {  	s17 =	simm.s32 $0x6;
	s18 =	rddreg [dreg:$0x7];
	[sflag:s16] =	ssyncadd.s32 $0xFFFF8000  }
0x2f: {  	[hbm4b:s18+s3] =	stream.linear.scatter [tilespmem:s9], [sflag:$0x6], $0x8000, $0x38;
	[tilespmem:$0x18D00] =	vst v63  }
0x30: {  	_ =	swait.ge [sflag:s17], $0x8000  }
0x31: {  	[sflag:s17] =	ssyncset.done $0x0  }
0x32: {  	s18 =	simm.s32 $0x500;
	[sflag:s17] =	ssyncadd.s32 $0xFFFF8000  }
0x33: {  	[tilespmem:s9], [sflag:$0x3] =	stream.indirect.gather [hbm4b:s2+s5], $0x80, s18, s5, $0xb8;
	[tilespmem:$0x18D00] =	vst v63  }
0x34: {  	_ =	swait.ge [sflag:s10], $0x8000  }
0x35: {  	[sflag:s10] =	ssyncset.done $0x0  }
0x36: {  	s19 =	rddreg [dreg:$0x8];
	[sflag:s10] =	ssyncadd.s32 $0xFFFF8000  }
0x37: {  	[hbm4b:s19+s3] =	stream.linear.scatter [tilespmem:s6], [sflag:$0x4], $0x8000, $0x38;
	[tilespmem:$0x18D00] =	vst v63  }
0x38: {  	_ =	swait.ge [sflag:s11], $0x8000  }
0x39: {  	[sflag:s11] =	ssyncset.done $0x0  }
0x3a: {  	s19 =	simm.s32 $0x600;
	[sflag:s11] =	ssyncadd.s32 $0xFFFF8000  }
0x3b: {  	[tilespmem:s6], [sflag:$0x1] =	stream.indirect.gather [hbm4b:s2+s5], $0x80, s19, s5, $0xb8;
	[tilespmem:$0x18D00] =	vst v63  }
0x3c: {  	_ =	swait.ge [sflag:s13], $0x8000  }
0x3d: {  	[sflag:s13] =	ssyncset.done $0x0  }
0x3e: {  	s20 =	rddreg [dreg:$0x9];
	[sflag:s13] =	ssyncadd.s32 $0xFFFF8000  }
0x3f: {  	[hbm4b:s20+s3] =	stream.linear.scatter [tilespmem:s7], [sflag:$0x5], $0x8000, $0x38;
	[tilespmem:$0x18D00] =	vst v63  }
0x40: {  	_ =	swait.ge [sflag:s14], $0x8000  }
0x41: {  	[sflag:s14] =	ssyncset.done $0x0  }
0x42: {  	s20 =	simm.s32 $0x700;
	[sflag:s14] =	ssyncadd.s32 $0xFFFF8000  }
0x43: {  	[tilespmem:s7], [sflag:$0x2] =	stream.indirect.gather [hbm4b:s2+s5], $0x80, s20, s5, $0xb8;
	[tilespmem:$0x18D00] =	vst v63  }
0x44: {  	_ =	swait.ge [sflag:s16], $0x8000  }
0x45: {  	[sflag:s16] =	ssyncset.done $0x0  }
0x46: {  	s21 =	rddreg [dreg:$0xa];
	[sflag:s16] =	ssyncadd.s32 $0xFFFF8000  }
0x47: {  	[hbm4b:s21+s3] =	stream.linear.scatter [tilespmem:s9], [sflag:$0x6], $0x8000, $0x38;
	[tilespmem:$0x18D00] =	vst v63  }
0x48: {  	_ =	swait.ge [sflag:s17], $0x8000  }
0x49: {  	[sflag:s17] =	ssyncset.done $0x0  }
0x4a: {  	s21 =	simm.s32 $0x800;
	[sflag:s17] =	ssyncadd.s32 $0xFFFF8000  }
0x4b: {  	[tilespmem:s9], [sflag:$0x3] =	stream.indirect.gather [hbm4b:s2+s5], $0x80, s21, s5, $0xb8;
	[tilespmem:$0x18D00] =	vst v63  }
0x4c: {  	_ =	swait.ge [sflag:s10], $0x8000  }
0x4d: {  	[sflag:s10] =	ssyncset.done $0x0  }
0x4e: {  	s22 =	rddreg [dreg:$0xb];
	[sflag:s10] =	ssyncadd.s32 $0xFFFF8000  }
0x4f: {  	[hbm4b:s22+s3] =	stream.linear.scatter [tilespmem:s6], [sflag:$0x4], $0x8000, $0x38;
	[tilespmem:$0x18D00] =	vst v63  }
0x50: {  	_ =	swait.ge [sflag:s11], $0x8000  }
0x51: {  	[sflag:s11] =	ssyncset.done $0x0  }
0x52: {  	s22 =	simm.s32 $0x900;
	[sflag:s11] =	ssyncadd.s32 $0xFFFF8000  }
0x53: {  	[tilespmem:s6], [sflag:$0x1] =	stream.indirect.gather [hbm4b:s2+s5], $0x80, s22, s5, $0xb8;
	[tilespmem:$0x18D00] =	vst v63  }
0x54: {  	_ =	swait.ge [sflag:s13], $0x8000  }
0x55: {  	[sflag:s13] =	ssyncset.done $0x0  }
0x56: {  	s23 =	rddreg [dreg:$0xc];
	[sflag:s13] =	ssyncadd.s32 $0xFFFF8000  }
0x57: {  	[hbm4b:s23+s3] =	stream.linear.scatter [tilespmem:s7], [sflag:$0x5], $0x8000, $0x38;
	[tilespmem:$0x18D00] =	vst v63  }
0x58: {  	_ =	swait.ge [sflag:s14], $0x8000  }
0x59: {  	[sflag:s14] =	ssyncset.done $0x0  }
0x5a: {  	s23 =	simm.s32 $0xA00;
	[sflag:s14] =	ssyncadd.s32 $0xFFFF8000  }
0x5b: {  	[tilespmem:s7], [sflag:$0x2] =	stream.indirect.gather [hbm4b:s2+s5], $0x80, s23, s5, $0xb8;
	[tilespmem:$0x18D00] =	vst v63  }
0x5c: {  	_ =	swait.ge [sflag:s16], $0x8000  }
0x5d: {  	[sflag:s16] =	ssyncset.done $0x0  }
0x5e: {  	s24 =	sadd.s32 $0x8000, s31;
	[sflag:s16] =	ssyncadd.s32 $0xFFFF8000  }
0x5f: {  	[hbm4b:s24+s3] =	stream.linear.scatter [tilespmem:s9], [sflag:$0x6], $0x8000, $0x38;
	[tilespmem:$0x18D00] =	vst v63  }
0x60: {  	_ =	swait.ge [sflag:s17], $0x8000  }
0x61: {  	[sflag:s17] =	ssyncset.done $0x0  }
0x62: {  	s25 =	simm.s32 $0xB00;
	[sflag:s17] =	ssyncadd.s32 $0xFFFF8000  }
0x63: {  	[tilespmem:s9], [sflag:$0x3] =	stream.indirect.gather [hbm4b:s2+s5], $0x80, s25, s5, $0xb8;
	[tilespmem:$0x18D00] =	vst v63  }
0x64: {  	_ =	swait.ge [sflag:s10], $0x8000  }
0x65: {  	[sflag:s10] =	ssyncset.done $0x0  }
0x66: {  	s26 =	sadd.s32 $0x9000, s31;
	[sflag:s10] =	ssyncadd.s32 $0xFFFF8000  }
0x67: {  	[hbm4b:s26+s3] =	stream.linear.scatter [tilespmem:s6], [sflag:$0x4], $0x8000, $0x38;
	[tilespmem:$0x18D00] =	vst v63  }
0x68: {  	_ =	swait.ge [sflag:s11], $0x8000  }
0x69: {  	[sflag:s11] =	ssyncset.done $0x0  }
0x6a: {  	s28 =	simm.s32 $0xC00;
	[sflag:s11] =	ssyncadd.s32 $0xFFFF8000  }
0x6b: {  	[tilespmem:s6], [sflag:$0x1] =	stream.indirect.gather [hbm4b:s2+s5], $0x80, s28, s5, $0xb8;
	[tilespmem:$0x18D00] =	vst v63  }
0x6c: {  	_ =	swait.ge [sflag:s13], $0x8000  }
0x6d: {  	[sflag:s13] =	ssyncset.done $0x0  }
0x6e: {  	s29 =	sadd.s32 $0xA000, s31;
	[sflag:s13] =	ssyncadd.s32 $0xFFFF8000  }
0x6f: {  	[hbm4b:s29+s3] =	stream.linear.scatter [tilespmem:s7], [sflag:$0x5], $0x8000, $0x38;
	[tilespmem:$0x18D00] =	vst v63  }
0x70: {  	_ =	swait.ge [sflag:s16], $0x8000  }
0x71: {  	[sflag:s16] =	ssyncset.done $0x0  }
0x72: {  	s30 =	sadd.s32 $0xB000, s31;
	[sflag:s16] =	ssyncadd.s32 $0xFFFF8000  }
0x73: {  	[hbm4b:s30+s3] =	stream.linear.scatter [tilespmem:s9], [sflag:$0x6], $0x8000, $0x38;
	[tilespmem:$0x18D00] =	vst v63  }
0x74: {  	s1 =	ssub.s32 $0x2, s1;
	_ =	swait.ge [sflag:s10], $0x8000  }
0x75: {  	s0 =	sshrl.u32 s1, $0x1;
	[sflag:s10] =	ssyncset.done $0x0  }
0x76: {  	s0 =	ssub.s32 s1, s0;
	s31 =	sadd.s32 $0xC000, s31;
	[sflag:s10] =	ssyncadd.s32 $0xFFFF8000  }
0x77: {  	[hbm4b:s31+s3] =	stream.linear.scatter [tilespmem:s6], [sflag:$0x4], $0x8000, $0x38;
	[tilespmem:$0x18D00] =	vst v63  }
0x78: {  	s0 =	smax.u32 s0, $0x1;
	_ =	swait.ge [sflag:s14], $0x8000  }
0x79: {  	p0 =	sne.s32 s0, $0x1;
	[sflag:s14] =	ssyncset.done $0x0  }
.Ltmp0:
0x7a: {  	[sflag:s14] =	ssyncadd.s32 $0xFFFF8000;
	(pc) =	sbr.rel @!p0 .LBB2_2-.Ltmp0, $4  }
0x7b: {  	_ =	swait.ge [sflag:s17], $0x8000  }
0x7c: {  	[sflag:s17] =	ssyncset.done $0x0  }
0x7d: {  	[sflag:s17] =	ssyncadd.s32 $0xFFFF8000  }
0x7e: {  	s1 =	sadd.s32 $0xFFFFFFFF, s0;
	_ =	swait.ge [sflag:s11], $0x8000  }
.LBB2_1:
0x7f: {  	[sflag:s11] =	ssyncset.done $0x0  }
0x80: {  	s0 =	rddreg [dreg:$0x4];
	[sflag:s11] =	ssyncadd.s32 $0xFFFF8000  }
0x81: {  	[tilespmem:s3], [sflag:$0x7] =	stream.linear.gather [hbm4b:s0+s3], $0xD00, $0x38;
	[tilespmem:$0x18D00] =	vst v63  }
0x82: {  	_ =	swait.ge [sflag:s4], $0xD00  }
0x83: {  	[sflag:s4] =	ssyncset.done $0x0  }
0x84: {  	[sflag:s4] =	ssyncadd.s32 $0xFFFFF300  }
0x85: {  	[tilespmem:s6], [sflag:$0x1] =	stream.indirect.gather [hbm4b:s2+s5], $0x80, s3, s5, $0xb8;
	[tilespmem:$0x18D00] =	vst v63  }
0x86: {  	_ = 	snop  }
0x87: {  	[tilespmem:s7], [sflag:$0x2] =	stream.indirect.gather [hbm4b:s2+s5], $0x80, s5, s5, $0xb8;
	[tilespmem:$0x18D00] =	vst v63  }
0x88: {  	_ = 	snop  }
0x89: {  	[tilespmem:s9], [sflag:$0x3] =	stream.indirect.gather [hbm4b:s2+s5], $0x80, s8, s5, $0xb8;
	[tilespmem:$0x18D00] =	vst v63  }
0x8a: {  	_ =	swait.ge [sflag:s10], $0x8000  }
0x8b: {  	[sflag:s10] =	ssyncset.done $0x0  }
0x8c: {  	s0 =	rddreg [dreg:$0x5];
	[sflag:s10] =	ssyncadd.s32 $0xFFFF8000  }
0x8d: {  	[hbm4b:s0+s3] =	stream.linear.scatter [tilespmem:s6], [sflag:$0x4], $0x8000, $0x38;
	[tilespmem:$0x18D00] =	vst v63  }
0x8e: {  	_ =	swait.ge [sflag:s11], $0x8000  }
0x8f: {  	[sflag:s11] =	ssyncset.done $0x0  }
0x90: {  	[sflag:s11] =	ssyncadd.s32 $0xFFFF8000  }
0x91: {  	[tilespmem:s6], [sflag:$0x1] =	stream.indirect.gather [hbm4b:s2+s5], $0x80, s12, s5, $0xb8;
	[tilespmem:$0x18D00] =	vst v63  }
0x92: {  	_ =	swait.ge [sflag:s13], $0x8000  }
0x93: {  	[sflag:s13] =	ssyncset.done $0x0  }
0x94: {  	s0 =	rddreg [dreg:$0x6];
	[sflag:s13] =	ssyncadd.s32 $0xFFFF8000  }
0x95: {  	[hbm4b:s0+s3] =	stream.linear.scatter [tilespmem:s7], [sflag:$0x5], $0x8000, $0x38;
	[tilespmem:$0x18D00] =	vst v63  }
0x96: {  	_ =	swait.ge [sflag:s14], $0x8000  }
0x97: {  	[sflag:s14] =	ssyncset.done $0x0  }
0x98: {  	[sflag:s14] =	ssyncadd.s32 $0xFFFF8000  }
0x99: {  	[tilespmem:s7], [sflag:$0x2] =	stream.indirect.gather [hbm4b:s2+s5], $0x80, s15, s5, $0xb8;
	[tilespmem:$0x18D00] =	vst v63  }
0x9a: {  	_ =	swait.ge [sflag:s16], $0x8000  }
0x9b: {  	[sflag:s16] =	ssyncset.done $0x0  }
0x9c: {  	s0 =	rddreg [dreg:$0x7];
	[sflag:s16] =	ssyncadd.s32 $0xFFFF8000  }
0x9d: {  	[hbm4b:s0+s3] =	stream.linear.scatter [tilespmem:s9], [sflag:$0x6], $0x8000, $0x38;
	[tilespmem:$0x18D00] =	vst v63  }
0x9e: {  	_ =	swait.ge [sflag:s17], $0x8000  }
0x9f: {  	[sflag:s17] =	ssyncset.done $0x0  }
0xa0: {  	[sflag:s17] =	ssyncadd.s32 $0xFFFF8000  }
0xa1: {  	[tilespmem:s9], [sflag:$0x3] =	stream.indirect.gather [hbm4b:s2+s5], $0x80, s18, s5, $0xb8;
	[tilespmem:$0x18D00] =	vst v63  }
0xa2: {  	_ =	swait.ge [sflag:s10], $0x8000  }
0xa3: {  	[sflag:s10] =	ssyncset.done $0x0  }
0xa4: {  	s0 =	rddreg [dreg:$0x8];
	[sflag:s10] =	ssyncadd.s32 $0xFFFF8000  }
0xa5: {  	[hbm4b:s0+s3] =	stream.linear.scatter [tilespmem:s6], [sflag:$0x4], $0x8000, $0x38;
	[tilespmem:$0x18D00] =	vst v63  }
0xa6: {  	_ =	swait.ge [sflag:s11], $0x8000  }
0xa7: {  	[sflag:s11] =	ssyncset.done $0x0  }
0xa8: {  	[sflag:s11] =	ssyncadd.s32 $0xFFFF8000  }
0xa9: {  	[tilespmem:s6], [sflag:$0x1] =	stream.indirect.gather [hbm4b:s2+s5], $0x80, s19, s5, $0xb8;
	[tilespmem:$0x18D00] =	vst v63  }
0xaa: {  	_ =	swait.ge [sflag:s13], $0x8000  }
0xab: {  	[sflag:s13] =	ssyncset.done $0x0  }
0xac: {  	s0 =	rddreg [dreg:$0x9];
	[sflag:s13] =	ssyncadd.s32 $0xFFFF8000  }
0xad: {  	[hbm4b:s0+s3] =	stream.linear.scatter [tilespmem:s7], [sflag:$0x5], $0x8000, $0x38;
	[tilespmem:$0x18D00] =	vst v63  }
0xae: {  	_ =	swait.ge [sflag:s14], $0x8000  }
0xaf: {  	[sflag:s14] =	ssyncset.done $0x0  }
0xb0: {  	[sflag:s14] =	ssyncadd.s32 $0xFFFF8000  }
0xb1: {  	[tilespmem:s7], [sflag:$0x2] =	stream.indirect.gather [hbm4b:s2+s5], $0x80, s20, s5, $0xb8;
	[tilespmem:$0x18D00] =	vst v63  }
0xb2: {  	_ =	swait.ge [sflag:s16], $0x8000  }
0xb3: {  	[sflag:s16] =	ssyncset.done $0x0  }
0xb4: {  	s0 =	rddreg [dreg:$0xa];
	[sflag:s16] =	ssyncadd.s32 $0xFFFF8000  }
0xb5: {  	[hbm4b:s0+s3] =	stream.linear.scatter [tilespmem:s9], [sflag:$0x6], $0x8000, $0x38;
	[tilespmem:$0x18D00] =	vst v63  }
0xb6: {  	_ =	swait.ge [sflag:s17], $0x8000  }
0xb7: {  	[sflag:s17] =	ssyncset.done $0x0  }
0xb8: {  	[sflag:s17] =	ssyncadd.s32 $0xFFFF8000  }
0xb9: {  	[tilespmem:s9], [sflag:$0x3] =	stream.indirect.gather [hbm4b:s2+s5], $0x80, s21, s5, $0xb8;
	[tilespmem:$0x18D00] =	vst v63  }
0xba: {  	_ =	swait.ge [sflag:s10], $0x8000  }
0xbb: {  	[sflag:s10] =	ssyncset.done $0x0  }
0xbc: {  	s0 =	rddreg [dreg:$0xb];
	[sflag:s10] =	ssyncadd.s32 $0xFFFF8000  }
0xbd: {  	[hbm4b:s0+s3] =	stream.linear.scatter [tilespmem:s6], [sflag:$0x4], $0x8000, $0x38;
	[tilespmem:$0x18D00] =	vst v63  }
0xbe: {  	_ =	swait.ge [sflag:s11], $0x8000  }
0xbf: {  	[sflag:s11] =	ssyncset.done $0x0  }
0xc0: {  	[sflag:s11] =	ssyncadd.s32 $0xFFFF8000  }
0xc1: {  	[tilespmem:s6], [sflag:$0x1] =	stream.indirect.gather [hbm4b:s2+s5], $0x80, s22, s5, $0xb8;
	[tilespmem:$0x18D00] =	vst v63  }
0xc2: {  	_ =	swait.ge [sflag:s13], $0x8000  }
0xc3: {  	[sflag:s13] =	ssyncset.done $0x0  }
0xc4: {  	s0 =	rddreg [dreg:$0xc];
	[sflag:s13] =	ssyncadd.s32 $0xFFFF8000  }
0xc5: {  	[hbm4b:s0+s3] =	stream.linear.scatter [tilespmem:s7], [sflag:$0x5], $0x8000, $0x38;
	[tilespmem:$0x18D00] =	vst v63  }
0xc6: {  	_ =	swait.ge [sflag:s14], $0x8000  }
0xc7: {  	[sflag:s14] =	ssyncset.done $0x0  }
0xc8: {  	[sflag:s14] =	ssyncadd.s32 $0xFFFF8000  }
0xc9: {  	[tilespmem:s7], [sflag:$0x2] =	stream.indirect.gather [hbm4b:s2+s5], $0x80, s23, s5, $0xb8;
	[tilespmem:$0x18D00] =	vst v63  }
0xca: {  	_ =	swait.ge [sflag:s16], $0x8000  }
0xcb: {  	[sflag:s16] =	ssyncset.done $0x0  }
0xcc: {  	[sflag:s16] =	ssyncadd.s32 $0xFFFF8000  }
0xcd: {  	[hbm4b:s24+s3] =	stream.linear.scatter [tilespmem:s9], [sflag:$0x6], $0x8000, $0x38;
	[tilespmem:$0x18D00] =	vst v63  }
0xce: {  	_ =	swait.ge [sflag:s17], $0x8000  }
0xcf: {  	[sflag:s17] =	ssyncset.done $0x0  }
0xd0: {  	[sflag:s17] =	ssyncadd.s32 $0xFFFF8000  }
0xd1: {  	[tilespmem:s9], [sflag:$0x3] =	stream.indirect.gather [hbm4b:s2+s5], $0x80, s25, s5, $0xb8;
	[tilespmem:$0x18D00] =	vst v63  }
0xd2: {  	_ =	swait.ge [sflag:s10], $0x8000  }
0xd3: {  	[sflag:s10] =	ssyncset.done $0x0  }
0xd4: {  	[sflag:s10] =	ssyncadd.s32 $0xFFFF8000  }
0xd5: {  	[hbm4b:s26+s3] =	stream.linear.scatter [tilespmem:s6], [sflag:$0x4], $0x8000, $0x38;
	[tilespmem:$0x18D00] =	vst v63  }
0xd6: {  	_ =	swait.ge [sflag:s11], $0x8000  }
0xd7: {  	[sflag:s11] =	ssyncset.done $0x0  }
0xd8: {  	[sflag:s11] =	ssyncadd.s32 $0xFFFF8000  }
0xd9: {  	[tilespmem:s6], [sflag:$0x1] =	stream.indirect.gather [hbm4b:s2+s5], $0x80, s28, s5, $0xb8;
	[tilespmem:$0x18D00] =	vst v63  }
0xda: {  	_ =	swait.ge [sflag:s13], $0x8000  }
0xdb: {  	[sflag:s13] =	ssyncset.done $0x0  }
0xdc: {  	[sflag:s13] =	ssyncadd.s32 $0xFFFF8000  }
0xdd: {  	[hbm4b:s29+s3] =	stream.linear.scatter [tilespmem:s7], [sflag:$0x5], $0x8000, $0x38;
	[tilespmem:$0x18D00] =	vst v63  }
0xde: {  	_ =	swait.ge [sflag:s16], $0x8000  }
0xdf: {  	[sflag:s16] =	ssyncset.done $0x0  }
0xe0: {  	[sflag:s16] =	ssyncadd.s32 $0xFFFF8000  }
0xe1: {  	[hbm4b:s30+s3] =	stream.linear.scatter [tilespmem:s9], [sflag:$0x6], $0x8000, $0x38;
	[tilespmem:$0x18D00] =	vst v63  }
0xe2: {  	_ =	swait.ge [sflag:s10], $0x8000  }
0xe3: {  	[sflag:s10] =	ssyncset.done $0x0  }
0xe4: {  	[sflag:s10] =	ssyncadd.s32 $0xFFFF8000  }
0xe5: {  	[hbm4b:s31+s3] =	stream.linear.scatter [tilespmem:s6], [sflag:$0x4], $0x8000, $0x38;
	[tilespmem:$0x18D00] =	vst v63  }
0xe6: {  	_ =	swait.ge [sflag:s14], $0x8000  }
0xe7: {  	p0 =	sne.s32 s1, $0x1;
	[sflag:s14] =	ssyncset.done $0x0  }
.Ltmp1:
0xe8: {  	[sflag:s14] =	ssyncadd.s32 $0xFFFF8000;
	(pc) =	sbr.rel @p0 .LBB2_1-.Ltmp1, $4  }
0xe9: {  	_ =	swait.ge [sflag:s17], $0x8000  }
0xea: {  	[sflag:s17] =	ssyncset.done $0x0  }
0xeb: {  	[sflag:s17] =	ssyncadd.s32 $0xFFFF8000  }
0xec: {  	s1 =	sadd.s32 $0xFFFFFFFF, s1;
	_ =	swait.ge [sflag:s11], $0x8000  }
.LBB2_2:
0xed: {  	[sflag:s11] =	ssyncset.done $0x0  }
0xee: {  	[sflag:s11] =	ssyncadd.s32 $0xFFFF8000  }
0xef: {  	_ =	sfence.sel $0x180000  }
0xf0: {  	[bflag:$0x0] =	sbarrier.arrive $0xFFFF  }
0xf1: {  	_ =	strace $0x90000047  }
0xf2: {  	s0 =	stileid.u32;
	[bflag:$0x2] =	sbarrier.arrive $0xFFFF  }
0xf3: {  	p0 =	sne.s32 s0, $0x0;
	s0 =	rddreg [dreg:$0x3]  }
0xf4: {  	s0 =	sadd.s32 @!p0 $0x100000, s0  }
0xf5: {  	[sflag:s0] =	ssyncadd.tile.s32 @!p0 $0x1;
	_ =	shalt  }
.Lfunc_end2:
_tile_overlayer_lowered:
.L_overlay_start_2:
0xf6: {  	(tag) =	ssettag $0x2  }
0xf7: {  	s0 =	rddreg [dreg:$0x0];
	s2 =	stileid.u32  }
0xf8: {  	s1 =	rddreg [dreg:$0x1];
	p0 =	sne.s32 s2, $0x0  }
0xf9: {  	s3 =	rddreg [dreg:$0x2];
	[bflag:$0x3] =	sbarrier.arrive $0xFFFF;
	s2 =	simm.s32 @!p0 $0x1C07  }
0xfa: {  	[timem:s3], [sflag:s2] =	dma.local @!p0 [hbm:s0], s1  }
0xfb: {  	s0 =	simm.s32 @!p0 $0x7  }
0xfc: {  	_ =	swait.ge @!p0 [sflag:s0], s1  }
0xfd: {  	s1 =	ssub.s32 @!p0 $0x0, s1;
	[sflag:s0] =	ssyncset.done @!p0 $0x0  }
0xfe: {  	[sflag:s0] =	ssyncadd.s32 @!p0 s1  }
0xff: {  	[bflag:$0x3] =	sbarrier.arrive $0xFFFF  }
0x100: {  	_ =	shalt  }

</sc_bundles>
